<compile_context>
chip_gen: v7x
topology: tpu7x:2x2x1
jax: 0.10.2.dev20260603
libtpu: 0.0.44.dev20260713+nightly
codegen_flags: <defaults>
</compile_context>

<pallas_src>
import jax
import jax.numpy as jnp
from jax import lax
from jax.experimental import pallas as pl
from jax.experimental.pallas import tpu as pltpu
from jax.experimental.pallas import tpu_sc as plsc

E = 320000
V = 10000
D = 128
F = 16
W = 2 * D + F
NW = 32
PER_W = E // NW
CHUNK = 80
NCH = PER_W // CHUNK
NBUF = 3


def _join_body(unary, binary, idx1, idx2, out, idx1_v, idx2_v, joined, gsem,
               ssem):
    c = lax.axis_index("c")
    s = lax.axis_index("s")
    wid = s * 2 + c
    w0 = pl.multiple_of(wid * PER_W, 8)
    pltpu.sync_copy(idx1.at[pl.ds(w0, PER_W)], idx1_v)
    pltpu.sync_copy(idx2.at[pl.ds(w0, PER_W)], idx2_v)

    def start_in(slot, i):
        base = pl.multiple_of(i * CHUNK, 8)
        g = pl.multiple_of(w0 + base, 8)
        pltpu.async_copy(unary.at[idx1_v.at[pl.ds(base, CHUNK)]],
                         joined.at[slot, :, pl.ds(0, D)], gsem.at[slot])
        pltpu.async_copy(unary.at[idx2_v.at[pl.ds(base, CHUNK)]],
                         joined.at[slot, :, pl.ds(D, D)], gsem.at[slot])
        pltpu.async_copy(binary.at[pl.ds(g, CHUNK), :],
                         joined.at[slot, :, pl.ds(2 * D, F)], gsem.at[slot])

    def wait_in(slot):
        pltpu.make_async_copy(unary.at[idx1_v.at[pl.ds(0, CHUNK)]],
                              joined.at[slot, :, pl.ds(0, D)],
                              gsem.at[slot]).wait()
        pltpu.make_async_copy(unary.at[idx2_v.at[pl.ds(0, CHUNK)]],
                              joined.at[slot, :, pl.ds(D, D)],
                              gsem.at[slot]).wait()
        pltpu.make_async_copy(binary.at[pl.ds(0, CHUNK), :],
                              joined.at[slot, :, pl.ds(2 * D, F)],
                              gsem.at[slot]).wait()

    def start_out(slot, i):
        g = pl.multiple_of(w0 + i * CHUNK, 8)
        pltpu.async_copy(joined.at[slot], out.at[pl.ds(g, CHUNK), :],
                         ssem.at[slot])

    def wait_out(slot):
        pltpu.make_async_copy(joined.at[slot], out.at[pl.ds(w0, CHUNK), :],
                              ssem.at[slot]).wait()

    for k in range(NBUF - 1):
        start_in(k, k)

    def body(i, carry):
        slot = lax.rem(i, NBUF)
        pre = lax.rem(i + NBUF - 1, NBUF)

        @pl.when(i + NBUF - 1 < NCH)
        def _():
            @pl.when(i >= 1)
            def _():
                wait_out(pre)
            start_in(pre, i + NBUF - 1)

        wait_in(slot)
        start_out(slot, i)
        return carry

    lax.fori_loop(0, NCH, body, 0)
    for k in range(NBUF):
        wait_out((NCH - NBUF + k) % NBUF)


def kernel(unary, binary, index1, index2):
    mesh = plsc.VectorSubcoreMesh(core_axis_name="c", subcore_axis_name="s")
    f = pl.kernel(
        _join_body,
        mesh=mesh,
        out_type=jax.ShapeDtypeStruct((E, W), jnp.float32),
        scratch_types=[
            pltpu.VMEM((PER_W,), jnp.int32),
            pltpu.VMEM((PER_W,), jnp.int32),
            pltpu.VMEM((NBUF, CHUNK, W), jnp.float32),
            pltpu.SemaphoreType.DMA((NBUF,)),
            pltpu.SemaphoreType.DMA((NBUF,)),
        ],
    )
    return f(unary, binary, index1.astype(jnp.int32), index2.astype(jnp.int32))

# --- scband reference (transcript-rebuilt; emitter-appended) ---
"""Pipeline reference for scband-join-80015240724620 (READ-ONLY COPY).

The authoritative reference and input builder live on the scoring server;
editing this copy changes nothing except your own understanding.
"""

import jax, jax.numpy as jnp
import numpy as np


def setup_inputs(seed: int = 0) -> dict:
    key = jax.random.key(seed)
    k1, k2, k3, k4 = jax.random.split(key, 4)
    unary = jax.random.normal(k1, (10000, 128), dtype=jnp.float32)
    binary = jax.random.normal(k2, (320000, 16), dtype=jnp.float32)
    index1 = jax.random.randint(k3, (320000,), 0, 10000, dtype=jnp.int64 if jax.config.jax_enable_x64 else jnp.int32).astype(jnp.int32)
    index2 = jax.random.randint(k4, (320000,), 0, 10000, dtype=jnp.int64 if jax.config.jax_enable_x64 else jnp.int32).astype(jnp.int32)
    return {"unary": unary, "binary": binary, "index1": index1, "index2": index2}


def reference(unary, binary, index1, index2):
    # Faithful translation of Join.forward:
    # gather unary rows by index1 and index2, concat with binary along feature dim.
    index1 = jnp.squeeze(index1)
    index2 = jnp.squeeze(index2)
    if index1.ndim == 0 and index2.ndim == 0:
        index1 = jnp.reshape(index1, (1,))
        index2 = jnp.reshape(index2, (1,))
    g1 = jnp.take(unary, index1, axis=0)
    g2 = jnp.take(unary, index2, axis=0)
    return jnp.concatenate([g1, g2, binary], axis=1)

if __name__ == "__main__":
    import jax
    _d = setup_inputs()
    print(jax.jit(kernel)(*tuple(_d.values())))

</pallas_src>

<mosaic_0001>
#map = affine_map<(d0, d1) -> (0, 0)>
#map1 = affine_map<(d0, d1) -> (0)>
module attributes {stable_mosaic.version = 14 : i64} {
  func.func @_join_body(%arg0: i32, %arg1: i32, %arg2: memref<10000x128xf32, #tpu.memory_space<hbm>>, %arg3: memref<320000x16xf32, #tpu.memory_space<hbm>>, %arg4: memref<320000xi32, #tpu.memory_space<hbm>>, %arg5: memref<320000xi32, #tpu.memory_space<hbm>>, %arg6: memref<320000x272xf32, #tpu.memory_space<hbm>>, %arg7: memref<10000xi32, #tpu.memory_space<vmem>>, %arg8: memref<10000xi32, #tpu.memory_space<vmem>>, %arg9: memref<3x80x272xf32, #tpu.memory_space<vmem>>, %arg10: memref<3x!tpu.dma_semaphore, #tpu.memory_space<semaphore_mem>>, %arg11: memref<3x!tpu.dma_semaphore, #tpu.memory_space<semaphore_mem>>) attributes {dimension_semantics = [#tpu.dimension_semantics<core_parallel>, #tpu.dimension_semantics<subcore_parallel>], iteration_bounds = array<i64: 2, 16>, scalar_prefetch = 0 : i64, scratch_operands = 5 : i64, tpu.core_type = #tpu.core_type<sc_vector_subcore>, window_params = [{transform_indices = #map}, {transform_indices = #map}, {transform_indices = #map1}, {transform_indices = #map1}, {transform_indices = #map}]} {
    %mul3A = arith.constant 2 : i32
    %mul3A_0 = arith.muli %arg1, %mul3A : i32
    %add3A = arith.addi %mul3A_0, %arg0 : i32
    %mul3A_1 = arith.constant 10000 : i32
    %mul3A_2 = arith.muli %add3A, %mul3A_1 : i32
    %multiple_of3A = tpu.assume_multiple %mul3A_2, 8 : i32
    "tpu.region"() ({
      %run_scoped3A = tpu.sem_alloc : memref<!tpu.dma_semaphore, #tpu.memory_space<semaphore_mem>>
      %dma_start3A_142 = tpu.memref_slice %arg4[%multiple_of3A] : memref<320000xi32, #tpu.memory_space<hbm>> -> memref<10000xi32, #tpu.memory_space<hbm>>
      %dma_start3A_143 = tpu.memref_slice %arg4[%multiple_of3A] : memref<320000xi32, #tpu.memory_space<hbm>> -> memref<10000xi32, #tpu.memory_space<hbm>>
      tpu.enqueue_dma source(%dma_start3A_143 : memref<10000xi32, #tpu.memory_space<hbm>>) target(%arg7 : memref<10000xi32, #tpu.memory_space<vmem>>) target_semaphore(%run_scoped3A : memref<!tpu.dma_semaphore, #tpu.memory_space<semaphore_mem>>)
      %dma_wait3A_144 = tpu.memref_slice %arg4[%multiple_of3A] : memref<320000xi32, #tpu.memory_space<hbm>> -> memref<10000xi32, #tpu.memory_space<hbm>>
      %dma_wait3A_145 = tpu.memref_slice %arg4[%multiple_of3A] : memref<320000xi32, #tpu.memory_space<hbm>> -> memref<10000xi32, #tpu.memory_space<hbm>>
      tpu.wait_dma2 semaphore(%run_scoped3A : memref<!tpu.dma_semaphore, #tpu.memory_space<semaphore_mem>>) src(%dma_wait3A_145 : memref<10000xi32, #tpu.memory_space<hbm>>) dst(%arg7 : memref<10000xi32, #tpu.memory_space<vmem>>)
      tpu.yield
    }) : () -> ()
    "tpu.region"() ({
      %run_scoped3A = tpu.sem_alloc : memref<!tpu.dma_semaphore, #tpu.memory_space<semaphore_mem>>
      %dma_start3A_142 = tpu.memref_slice %arg5[%multiple_of3A] : memref<320000xi32, #tpu.memory_space<hbm>> -> memref<10000xi32, #tpu.memory_space<hbm>>
      %dma_start3A_143 = tpu.memref_slice %arg5[%multiple_of3A] : memref<320000xi32, #tpu.memory_space<hbm>> -> memref<10000xi32, #tpu.memory_space<hbm>>
      tpu.enqueue_dma source(%dma_start3A_143 : memref<10000xi32, #tpu.memory_space<hbm>>) target(%arg8 : memref<10000xi32, #tpu.memory_space<vmem>>) target_semaphore(%run_scoped3A : memref<!tpu.dma_semaphore, #tpu.memory_space<semaphore_mem>>)
      %dma_wait3A_144 = tpu.memref_slice %arg5[%multiple_of3A] : memref<320000xi32, #tpu.memory_space<hbm>> -> memref<10000xi32, #tpu.memory_space<hbm>>
      %dma_wait3A_145 = tpu.memref_slice %arg5[%multiple_of3A] : memref<320000xi32, #tpu.memory_space<hbm>> -> memref<10000xi32, #tpu.memory_space<hbm>>
      tpu.wait_dma2 semaphore(%run_scoped3A : memref<!tpu.dma_semaphore, #tpu.memory_space<semaphore_mem>>) src(%dma_wait3A_145 : memref<10000xi32, #tpu.memory_space<hbm>>) dst(%arg8 : memref<10000xi32, #tpu.memory_space<vmem>>)
      tpu.yield
    }) : () -> ()
    %multiple_of3A_3 = arith.constant 0 : i32
    %multiple_of3A_4 = tpu.assume_multiple %multiple_of3A_3, 8 : i32
    %add3A_5 = arith.addi %multiple_of3A, %multiple_of3A_4 : i32
    %multiple_of3A_6 = tpu.assume_multiple %add3A_5, 8 : i32
    %dma_start3A = arith.constant 0 : i32
    %dma_start3A_7 = arith.constant 0 : i32
    %dma_start3A_8 = arith.constant 0 : i32
    %dma_start3A_9 = arith.constant 0 : i32
    %dma_start3A_10 = tpu.memref_slice %arg9[%dma_start3A, %dma_start3A_8, %dma_start3A_9] : memref<3x80x272xf32, #tpu.memory_space<vmem>> -> memref<1x80x128xf32, #tpu.memory_space<vmem>>
    %dma_start3A_11 = tpu.memref_squeeze %dma_start3A_10 : memref<1x80x128xf32, #tpu.memory_space<vmem>> -> memref<80x128xf32, #tpu.memory_space<vmem>>
    %dma_start3A_12 = tpu.memref_slice %arg7[%multiple_of3A_4] : memref<10000xi32, #tpu.memory_space<vmem>> -> memref<80xi32, #tpu.memory_space<vmem>>
    %dma_start3A_13 = arith.constant 0 : i32
    %dma_start3A_14 = arith.constant 0 : i32
    %dma_start3A_15 = tpu.memref_slice %arg2[%dma_start3A_13, %dma_start3A_14] : memref<10000x128xf32, #tpu.memory_space<hbm>> -> memref<10000x128xf32, #tpu.memory_space<hbm>>
    %dma_start3A_16 = tpu.memref_slice %arg10[%dma_start3A_7] : memref<3x!tpu.dma_semaphore, #tpu.memory_space<semaphore_mem>> -> memref<1x!tpu.dma_semaphore, #tpu.memory_space<semaphore_mem>>
    %dma_start3A_17 = tpu.memref_squeeze %dma_start3A_16 : memref<1x!tpu.dma_semaphore, #tpu.memory_space<semaphore_mem>> -> memref<!tpu.dma_semaphore, #tpu.memory_space<semaphore_mem>>
    tpu.enqueue_indirect_dma source(%dma_start3A_15 : memref<10000x128xf32, #tpu.memory_space<hbm>>) target(%dma_start3A_11 : memref<80x128xf32, #tpu.memory_space<vmem>>) offsets(%dma_start3A_12 : memref<80xi32, #tpu.memory_space<vmem>>) semaphore(%dma_start3A_17 : memref<!tpu.dma_semaphore, #tpu.memory_space<semaphore_mem>>)
    %dma_start3A_18 = arith.constant 0 : i32
    %dma_start3A_19 = arith.constant 0 : i32
    %dma_start3A_20 = arith.constant 0 : i32
    %dma_start3A_21 = arith.constant 128 : i32
    %dma_start3A_22 = tpu.memref_slice %arg9[%dma_start3A_18, %dma_start3A_20, %dma_start3A_21] : memref<3x80x272xf32, #tpu.memory_space<vmem>> -> memref<1x80x128xf32, #tpu.memory_space<vmem>>
    %dma_start3A_23 = tpu.memref_squeeze %dma_start3A_22 : memref<1x80x128xf32, #tpu.memory_space<vmem>> -> memref<80x128xf32, #tpu.memory_space<vmem>>
    %dma_start3A_24 = tpu.memref_slice %arg8[%multiple_of3A_4] : memref<10000xi32, #tpu.memory_space<vmem>> -> memref<80xi32, #tpu.memory_space<vmem>>
    %dma_start3A_25 = arith.constant 0 : i32
    %dma_start3A_26 = arith.constant 0 : i32
    %dma_start3A_27 = tpu.memref_slice %arg2[%dma_start3A_25, %dma_start3A_26] : memref<10000x128xf32, #tpu.memory_space<hbm>> -> memref<10000x128xf32, #tpu.memory_space<hbm>>
    %dma_start3A_28 = tpu.memref_slice %arg10[%dma_start3A_19] : memref<3x!tpu.dma_semaphore, #tpu.memory_space<semaphore_mem>> -> memref<1x!tpu.dma_semaphore, #tpu.memory_space<semaphore_mem>>
    %dma_start3A_29 = tpu.memref_squeeze %dma_start3A_28 : memref<1x!tpu.dma_semaphore, #tpu.memory_space<semaphore_mem>> -> memref<!tpu.dma_semaphore, #tpu.memory_space<semaphore_mem>>
    tpu.enqueue_indirect_dma source(%dma_start3A_27 : memref<10000x128xf32, #tpu.memory_space<hbm>>) target(%dma_start3A_23 : memref<80x128xf32, #tpu.memory_space<vmem>>) offsets(%dma_start3A_24 : memref<80xi32, #tpu.memory_space<vmem>>) semaphore(%dma_start3A_29 : memref<!tpu.dma_semaphore, #tpu.memory_space<semaphore_mem>>)
    %dma_start3A_30 = arith.constant 0 : i32
    %dma_start3A_31 = arith.constant 0 : i32
    %dma_start3A_32 = arith.constant 0 : i32
    %dma_start3A_33 = arith.constant 256 : i32
    %dma_start3A_34 = tpu.memref_slice %arg9[%dma_start3A_30, %dma_start3A_32, %dma_start3A_33] : memref<3x80x272xf32, #tpu.memory_space<vmem>> -> memref<1x80x16xf32, #tpu.memory_space<vmem>>
    %dma_start3A_35 = tpu.memref_squeeze %dma_start3A_34 : memref<1x80x16xf32, #tpu.memory_space<vmem>> -> memref<80x16xf32, #tpu.memory_space<vmem>>
    %dma_start3A_36 = arith.constant 0 : i32
    %dma_start3A_37 = tpu.memref_slice %arg3[%multiple_of3A_6, %dma_start3A_36] : memref<320000x16xf32, #tpu.memory_space<hbm>> -> memref<80x16xf32, #tpu.memory_space<hbm>>
    %dma_start3A_38 = tpu.memref_slice %arg10[%dma_start3A_31] : memref<3x!tpu.dma_semaphore, #tpu.memory_space<semaphore_mem>> -> memref<1x!tpu.dma_semaphore, #tpu.memory_space<semaphore_mem>>
    %dma_start3A_39 = tpu.memref_squeeze %dma_start3A_38 : memref<1x!tpu.dma_semaphore, #tpu.memory_space<semaphore_mem>> -> memref<!tpu.dma_semaphore, #tpu.memory_space<semaphore_mem>>
    %dma_start3A_40 = arith.constant 0 : i32
    %dma_start3A_41 = arith.constant 256 : i32
    %dma_start3A_42 = tpu.memref_slice %arg9[%dma_start3A_30, %dma_start3A_40, %dma_start3A_41] : memref<3x80x272xf32, #tpu.memory_space<vmem>> -> memref<1x80x16xf32, #tpu.memory_space<vmem>>
    %dma_start3A_43 = tpu.memref_squeeze %dma_start3A_42 : memref<1x80x16xf32, #tpu.memory_space<vmem>> -> memref<80x16xf32, #tpu.memory_space<vmem>>
    %dma_start3A_44 = arith.constant 0 : i32
    %dma_start3A_45 = tpu.memref_slice %arg3[%multiple_of3A_6, %dma_start3A_44] : memref<320000x16xf32, #tpu.memory_space<hbm>> -> memref<80x16xf32, #tpu.memory_space<hbm>>
    tpu.enqueue_dma source(%dma_start3A_45 : memref<80x16xf32, #tpu.memory_space<hbm>>) target(%dma_start3A_43 : memref<80x16xf32, #tpu.memory_space<vmem>>) target_semaphore(%dma_start3A_39 : memref<!tpu.dma_semaphore, #tpu.memory_space<semaphore_mem>>)
    %multiple_of3A_46 = arith.constant 80 : i32
    %multiple_of3A_47 = tpu.assume_multiple %multiple_of3A_46, 8 : i32
    %add3A_48 = arith.addi %multiple_of3A, %multiple_of3A_47 : i32
    %multiple_of3A_49 = tpu.assume_multiple %add3A_48, 8 : i32
    %dma_start3A_50 = arith.constant 1 : i32
    %dma_start3A_51 = arith.constant 1 : i32
    %dma_start3A_52 = arith.constant 0 : i32
    %dma_start3A_53 = arith.constant 0 : i32
    %dma_start3A_54 = tpu.memref_slice %arg9[%dma_start3A_50, %dma_start3A_52, %dma_start3A_53] : memref<3x80x272xf32, #tpu.memory_space<vmem>> -> memref<1x80x128xf32, #tpu.memory_space<vmem>>
    %dma_start3A_55 = tpu.memref_squeeze %dma_start3A_54 : memref<1x80x128xf32, #tpu.memory_space<vmem>> -> memref<80x128xf32, #tpu.memory_space<vmem>>
    %dma_start3A_56 = tpu.memref_slice %arg7[%multiple_of3A_47] : memref<10000xi32, #tpu.memory_space<vmem>> -> memref<80xi32, #tpu.memory_space<vmem>>
    %dma_start3A_57 = arith.constant 0 : i32
    %dma_start3A_58 = arith.constant 0 : i32
    %dma_start3A_59 = tpu.memref_slice %arg2[%dma_start3A_57, %dma_start3A_58] : memref<10000x128xf32, #tpu.memory_space<hbm>> -> memref<10000x128xf32, #tpu.memory_space<hbm>>
    %dma_start3A_60 = tpu.memref_slice %arg10[%dma_start3A_51] : memref<3x!tpu.dma_semaphore, #tpu.memory_space<semaphore_mem>> -> memref<1x!tpu.dma_semaphore, #tpu.memory_space<semaphore_mem>>
    %dma_start3A_61 = tpu.memref_squeeze %dma_start3A_60 : memref<1x!tpu.dma_semaphore, #tpu.memory_space<semaphore_mem>> -> memref<!tpu.dma_semaphore, #tpu.memory_space<semaphore_mem>>
    tpu.enqueue_indirect_dma source(%dma_start3A_59 : memref<10000x128xf32, #tpu.memory_space<hbm>>) target(%dma_start3A_55 : memref<80x128xf32, #tpu.memory_space<vmem>>) offsets(%dma_start3A_56 : memref<80xi32, #tpu.memory_space<vmem>>) semaphore(%dma_start3A_61 : memref<!tpu.dma_semaphore, #tpu.memory_space<semaphore_mem>>)
    %dma_start3A_62 = arith.constant 1 : i32
    %dma_start3A_63 = arith.constant 1 : i32
    %dma_start3A_64 = arith.constant 0 : i32
    %dma_start3A_65 = arith.constant 128 : i32
    %dma_start3A_66 = tpu.memref_slice %arg9[%dma_start3A_62, %dma_start3A_64, %dma_start3A_65] : memref<3x80x272xf32, #tpu.memory_space<vmem>> -> memref<1x80x128xf32, #tpu.memory_space<vmem>>
    %dma_start3A_67 = tpu.memref_squeeze %dma_start3A_66 : memref<1x80x128xf32, #tpu.memory_space<vmem>> -> memref<80x128xf32, #tpu.memory_space<vmem>>
    %dma_start3A_68 = tpu.memref_slice %arg8[%multiple_of3A_47] : memref<10000xi32, #tpu.memory_space<vmem>> -> memref<80xi32, #tpu.memory_space<vmem>>
    %dma_start3A_69 = arith.constant 0 : i32
    %dma_start3A_70 = arith.constant 0 : i32
    %dma_start3A_71 = tpu.memref_slice %arg2[%dma_start3A_69, %dma_start3A_70] : memref<10000x128xf32, #tpu.memory_space<hbm>> -> memref<10000x128xf32, #tpu.memory_space<hbm>>
    %dma_start3A_72 = tpu.memref_slice %arg10[%dma_start3A_63] : memref<3x!tpu.dma_semaphore, #tpu.memory_space<semaphore_mem>> -> memref<1x!tpu.dma_semaphore, #tpu.memory_space<semaphore_mem>>
    %dma_start3A_73 = tpu.memref_squeeze %dma_start3A_72 : memref<1x!tpu.dma_semaphore, #tpu.memory_space<semaphore_mem>> -> memref<!tpu.dma_semaphore, #tpu.memory_space<semaphore_mem>>
    tpu.enqueue_indirect_dma source(%dma_start3A_71 : memref<10000x128xf32, #tpu.memory_space<hbm>>) target(%dma_start3A_67 : memref<80x128xf32, #tpu.memory_space<vmem>>) offsets(%dma_start3A_68 : memref<80xi32, #tpu.memory_space<vmem>>) semaphore(%dma_start3A_73 : memref<!tpu.dma_semaphore, #tpu.memory_space<semaphore_mem>>)
    %dma_start3A_74 = arith.constant 1 : i32
    %dma_start3A_75 = arith.constant 1 : i32
    %dma_start3A_76 = arith.constant 0 : i32
    %dma_start3A_77 = arith.constant 256 : i32
    %dma_start3A_78 = tpu.memref_slice %arg9[%dma_start3A_74, %dma_start3A_76, %dma_start3A_77] : memref<3x80x272xf32, #tpu.memory_space<vmem>> -> memref<1x80x16xf32, #tpu.memory_space<vmem>>
    %dma_start3A_79 = tpu.memref_squeeze %dma_start3A_78 : memref<1x80x16xf32, #tpu.memory_space<vmem>> -> memref<80x16xf32, #tpu.memory_space<vmem>>
    %dma_start3A_80 = arith.constant 0 : i32
    %dma_start3A_81 = tpu.memref_slice %arg3[%multiple_of3A_49, %dma_start3A_80] : memref<320000x16xf32, #tpu.memory_space<hbm>> -> memref<80x16xf32, #tpu.memory_space<hbm>>
    %dma_start3A_82 = tpu.memref_slice %arg10[%dma_start3A_75] : memref<3x!tpu.dma_semaphore, #tpu.memory_space<semaphore_mem>> -> memref<1x!tpu.dma_semaphore, #tpu.memory_space<semaphore_mem>>
    %dma_start3A_83 = tpu.memref_squeeze %dma_start3A_82 : memref<1x!tpu.dma_semaphore, #tpu.memory_space<semaphore_mem>> -> memref<!tpu.dma_semaphore, #tpu.memory_space<semaphore_mem>>
    %dma_start3A_84 = arith.constant 0 : i32
    %dma_start3A_85 = arith.constant 256 : i32
    %dma_start3A_86 = tpu.memref_slice %arg9[%dma_start3A_74, %dma_start3A_84, %dma_start3A_85] : memref<3x80x272xf32, #tpu.memory_space<vmem>> -> memref<1x80x16xf32, #tpu.memory_space<vmem>>
    %dma_start3A_87 = tpu.memref_squeeze %dma_start3A_86 : memref<1x80x16xf32, #tpu.memory_space<vmem>> -> memref<80x16xf32, #tpu.memory_space<vmem>>
    %dma_start3A_88 = arith.constant 0 : i32
    %dma_start3A_89 = tpu.memref_slice %arg3[%multiple_of3A_49, %dma_start3A_88] : memref<320000x16xf32, #tpu.memory_space<hbm>> -> memref<80x16xf32, #tpu.memory_space<hbm>>
    tpu.enqueue_dma source(%dma_start3A_89 : memref<80x16xf32, #tpu.memory_space<hbm>>) target(%dma_start3A_87 : memref<80x16xf32, #tpu.memory_space<vmem>>) target_semaphore(%dma_start3A_83 : memref<!tpu.dma_semaphore, #tpu.memory_space<semaphore_mem>>)
    %scan3A = arith.constant 0 : i32
    %scan3A_90 = arith.constant 0 : i32
    %scan3A_91 = arith.constant 125 : i32
    %scan3A_92 = arith.addi %scan3A_90, %scan3A_91 : i32
    %scan3A_93 = arith.constant 1 : i32
    scf.for %scan3A_142 = %scan3A_90 to %scan3A_92 step %scan3A_93  : i32 {
      %rem3A = arith.constant 3 : i32
      %rem3A_143 = arith.remsi %scan3A_142, %rem3A : i32
      %add3A_144 = arith.constant 3 : i32
      %add3A_145 = arith.addi %scan3A_142, %add3A_144 : i32
      %sub3A = arith.constant 1 : i32
      %sub3A_146 = arith.subi %add3A_145, %sub3A : i32
      %rem3A_147 = arith.constant 3 : i32
      %rem3A_148 = arith.remsi %sub3A_146, %rem3A_147 : i32
      %add3A_149 = arith.constant 3 : i32
      %add3A_150 = arith.addi %scan3A_142, %add3A_149 : i32
      %sub3A_151 = arith.constant 1 : i32
      %sub3A_152 = arith.subi %add3A_150, %sub3A_151 : i32
      %lt3A = arith.constant 125 : i32
      %lt3A_153 = arith.cmpi slt, %sub3A_152, %lt3A : i32
      %convert_element_type3A = arith.extui %lt3A_153 : i1 to i32
      %cond3A = arith.constant 0 : i32
      %cond3A_154 = arith.cmpi ne, %convert_element_type3A, %cond3A : i32
      scf.if %cond3A_154 {
        %ge3A = arith.constant 1 : i32
        %ge3A_211 = arith.cmpi sge, %scan3A_142, %ge3A : i32
        %convert_element_type3A_212 = arith.extui %ge3A_211 : i1 to i32
        %cond3A_213 = arith.constant 0 : i32
        %cond3A_214 = arith.cmpi ne, %convert_element_type3A_212, %cond3A_213 : i32
        scf.if %cond3A_214 {
          %dma_wait3A_258 = arith.constant 0 : i32
          %dma_wait3A_259 = arith.constant 0 : i32
          %dma_wait3A_260 = tpu.memref_slice %arg9[%rem3A_148, %dma_wait3A_258, %dma_wait3A_259] : memref<3x80x272xf32, #tpu.memory_space<vmem>> -> memref<1x80x272xf32, #tpu.memory_space<vmem>>
          %dma_wait3A_261 = tpu.memref_squeeze %dma_wait3A_260 : memref<1x80x272xf32, #tpu.memory_space<vmem>> -> memref<80x272xf32, #tpu.memory_space<vmem>>
          %dma_wait3A_262 = arith.constant 0 : i32
          %dma_wait3A_263 = tpu.memref_slice %arg6[%multiple_of3A, %dma_wait3A_262] : memref<320000x272xf32, #tpu.memory_space<hbm>> -> memref<80x272xf32, #tpu.memory_space<hbm>>
          %dma_wait3A_264 = tpu.memref_slice %arg11[%rem3A_148] : memref<3x!tpu.dma_semaphore, #tpu.memory_space<semaphore_mem>> -> memref<1x!tpu.dma_semaphore, #tpu.memory_space<semaphore_mem>>
          %dma_wait3A_265 = tpu.memref_squeeze %dma_wait3A_264 : memref<1x!tpu.dma_semaphore, #tpu.memory_space<semaphore_mem>> -> memref<!tpu.dma_semaphore, #tpu.memory_space<semaphore_mem>>
          %dma_wait3A_266 = arith.constant 0 : i32
          %dma_wait3A_267 = tpu.memref_slice %arg6[%multiple_of3A, %dma_wait3A_266] : memref<320000x272xf32, #tpu.memory_space<hbm>> -> memref<80x272xf32, #tpu.memory_space<hbm>>
          %dma_wait3A_268 = arith.constant 0 : i32
          %dma_wait3A_269 = arith.constant 0 : i32
          %dma_wait3A_270 = tpu.memref_slice %arg9[%rem3A_148, %dma_wait3A_268, %dma_wait3A_269] : memref<3x80x272xf32, #tpu.memory_space<vmem>> -> memref<1x80x272xf32, #tpu.memory_space<vmem>>
          %dma_wait3A_271 = tpu.memref_squeeze %dma_wait3A_270 : memref<1x80x272xf32, #tpu.memory_space<vmem>> -> memref<80x272xf32, #tpu.memory_space<vmem>>
          tpu.wait_dma2 semaphore(%dma_wait3A_265 : memref<!tpu.dma_semaphore, #tpu.memory_space<semaphore_mem>>) src(%dma_wait3A_271 : memref<80x272xf32, #tpu.memory_space<vmem>>) dst(%dma_wait3A_267 : memref<80x272xf32, #tpu.memory_space<hbm>>)
        } else {
        }
        %add3A_215 = arith.constant 3 : i32
        %add3A_216 = arith.addi %scan3A_142, %add3A_215 : i32
        %sub3A_217 = arith.constant 1 : i32
        %sub3A_218 = arith.subi %add3A_216, %sub3A_217 : i32
        %mul3A_219 = arith.constant 80 : i32
        %mul3A_220 = arith.muli %sub3A_218, %mul3A_219 : i32
        %multiple_of3A_221 = tpu.assume_multiple %mul3A_220, 8 : i32
        %add3A_222 = arith.addi %multiple_of3A, %multiple_of3A_221 : i32
        %multiple_of3A_223 = tpu.assume_multiple %add3A_222, 8 : i32
        %dma_start3A_224 = arith.constant 0 : i32
        %dma_start3A_225 = arith.constant 0 : i32
        %dma_start3A_226 = tpu.memref_slice %arg9[%rem3A_148, %dma_start3A_224, %dma_start3A_225] : memref<3x80x272xf32, #tpu.memory_space<vmem>> -> memref<1x80x128xf32, #tpu.memory_space<vmem>>
        %dma_start3A_227 = tpu.memref_squeeze %dma_start3A_226 : memref<1x80x128xf32, #tpu.memory_space<vmem>> -> memref<80x128xf32, #tpu.memory_space<vmem>>
        %dma_start3A_228 = tpu.memref_slice %arg7[%multiple_of3A_221] : memref<10000xi32, #tpu.memory_space<vmem>> -> memref<80xi32, #tpu.memory_space<vmem>>
        %dma_start3A_229 = arith.constant 0 : i32
        %dma_start3A_230 = arith.constant 0 : i32
        %dma_start3A_231 = tpu.memref_slice %arg2[%dma_start3A_229, %dma_start3A_230] : memref<10000x128xf32, #tpu.memory_space<hbm>> -> memref<10000x128xf32, #tpu.memory_space<hbm>>
        %dma_start3A_232 = tpu.memref_slice %arg10[%rem3A_148] : memref<3x!tpu.dma_semaphore, #tpu.memory_space<semaphore_mem>> -> memref<1x!tpu.dma_semaphore, #tpu.memory_space<semaphore_mem>>
        %dma_start3A_233 = tpu.memref_squeeze %dma_start3A_232 : memref<1x!tpu.dma_semaphore, #tpu.memory_space<semaphore_mem>> -> memref<!tpu.dma_semaphore, #tpu.memory_space<semaphore_mem>>
        tpu.enqueue_indirect_dma source(%dma_start3A_231 : memref<10000x128xf32, #tpu.memory_space<hbm>>) target(%dma_start3A_227 : memref<80x128xf32, #tpu.memory_space<vmem>>) offsets(%dma_start3A_228 : memref<80xi32, #tpu.memory_space<vmem>>) semaphore(%dma_start3A_233 : memref<!tpu.dma_semaphore, #tpu.memory_space<semaphore_mem>>)
        %dma_start3A_234 = arith.constant 0 : i32
        %dma_start3A_235 = arith.constant 128 : i32
        %dma_start3A_236 = tpu.memref_slice %arg9[%rem3A_148, %dma_start3A_234, %dma_start3A_235] : memref<3x80x272xf32, #tpu.memory_space<vmem>> -> memref<1x80x128xf32, #tpu.memory_space<vmem>>
        %dma_start3A_237 = tpu.memref_squeeze %dma_start3A_236 : memref<1x80x128xf32, #tpu.memory_space<vmem>> -> memref<80x128xf32, #tpu.memory_space<vmem>>
        %dma_start3A_238 = tpu.memref_slice %arg8[%multiple_of3A_221] : memref<10000xi32, #tpu.memory_space<vmem>> -> memref<80xi32, #tpu.memory_space<vmem>>
        %dma_start3A_239 = arith.constant 0 : i32
        %dma_start3A_240 = arith.constant 0 : i32
        %dma_start3A_241 = tpu.memref_slice %arg2[%dma_start3A_239, %dma_start3A_240] : memref<10000x128xf32, #tpu.memory_space<hbm>> -> memref<10000x128xf32, #tpu.memory_space<hbm>>
        %dma_start3A_242 = tpu.memref_slice %arg10[%rem3A_148] : memref<3x!tpu.dma_semaphore, #tpu.memory_space<semaphore_mem>> -> memref<1x!tpu.dma_semaphore, #tpu.memory_space<semaphore_mem>>
        %dma_start3A_243 = tpu.memref_squeeze %dma_start3A_242 : memref<1x!tpu.dma_semaphore, #tpu.memory_space<semaphore_mem>> -> memref<!tpu.dma_semaphore, #tpu.memory_space<semaphore_mem>>
        tpu.enqueue_indirect_dma source(%dma_start3A_241 : memref<10000x128xf32, #tpu.memory_space<hbm>>) target(%dma_start3A_237 : memref<80x128xf32, #tpu.memory_space<vmem>>) offsets(%dma_start3A_238 : memref<80xi32, #tpu.memory_space<vmem>>) semaphore(%dma_start3A_243 : memref<!tpu.dma_semaphore, #tpu.memory_space<semaphore_mem>>)
        %dma_start3A_244 = arith.constant 0 : i32
        %dma_start3A_245 = arith.constant 256 : i32
        %dma_start3A_246 = tpu.memref_slice %arg9[%rem3A_148, %dma_start3A_244, %dma_start3A_245] : memref<3x80x272xf32, #tpu.memory_space<vmem>> -> memref<1x80x16xf32, #tpu.memory_space<vmem>>
        %dma_start3A_247 = tpu.memref_squeeze %dma_start3A_246 : memref<1x80x16xf32, #tpu.memory_space<vmem>> -> memref<80x16xf32, #tpu.memory_space<vmem>>
        %dma_start3A_248 = arith.constant 0 : i32
        %dma_start3A_249 = tpu.memref_slice %arg3[%multiple_of3A_223, %dma_start3A_248] : memref<320000x16xf32, #tpu.memory_space<hbm>> -> memref<80x16xf32, #tpu.memory_space<hbm>>
        %dma_start3A_250 = tpu.memref_slice %arg10[%rem3A_148] : memref<3x!tpu.dma_semaphore, #tpu.memory_space<semaphore_mem>> -> memref<1x!tpu.dma_semaphore, #tpu.memory_space<semaphore_mem>>
        %dma_start3A_251 = tpu.memref_squeeze %dma_start3A_250 : memref<1x!tpu.dma_semaphore, #tpu.memory_space<semaphore_mem>> -> memref<!tpu.dma_semaphore, #tpu.memory_space<semaphore_mem>>
        %dma_start3A_252 = arith.constant 0 : i32
        %dma_start3A_253 = arith.constant 256 : i32
        %dma_start3A_254 = tpu.memref_slice %arg9[%rem3A_148, %dma_start3A_252, %dma_start3A_253] : memref<3x80x272xf32, #tpu.memory_space<vmem>> -> memref<1x80x16xf32, #tpu.memory_space<vmem>>
        %dma_start3A_255 = tpu.memref_squeeze %dma_start3A_254 : memref<1x80x16xf32, #tpu.memory_space<vmem>> -> memref<80x16xf32, #tpu.memory_space<vmem>>
        %dma_start3A_256 = arith.constant 0 : i32
        %dma_start3A_257 = tpu.memref_slice %arg3[%multiple_of3A_223, %dma_start3A_256] : memref<320000x16xf32, #tpu.memory_space<hbm>> -> memref<80x16xf32, #tpu.memory_space<hbm>>
        tpu.enqueue_dma source(%dma_start3A_257 : memref<80x16xf32, #tpu.memory_space<hbm>>) target(%dma_start3A_255 : memref<80x16xf32, #tpu.memory_space<vmem>>) target_semaphore(%dma_start3A_251 : memref<!tpu.dma_semaphore, #tpu.memory_space<semaphore_mem>>)
      } else {
      }
      %dma_wait3A_155 = arith.constant 0 : i32
      %dma_wait3A_156 = arith.constant 0 : i32
      %dma_wait3A_157 = tpu.memref_slice %arg9[%rem3A_143, %dma_wait3A_155, %dma_wait3A_156] : memref<3x80x272xf32, #tpu.memory_space<vmem>> -> memref<1x80x128xf32, #tpu.memory_space<vmem>>
      %dma_wait3A_158 = tpu.memref_squeeze %dma_wait3A_157 : memref<1x80x128xf32, #tpu.memory_space<vmem>> -> memref<80x128xf32, #tpu.memory_space<vmem>>
      %dma_wait3A_159 = arith.constant 0 : i32
      %dma_wait3A_160 = tpu.memref_slice %arg7[%dma_wait3A_159] : memref<10000xi32, #tpu.memory_space<vmem>> -> memref<80xi32, #tpu.memory_space<vmem>>
      %dma_wait3A_161 = arith.constant 0 : i32
      %dma_wait3A_162 = arith.constant 0 : i32
      %dma_wait3A_163 = tpu.memref_slice %arg2[%dma_wait3A_161, %dma_wait3A_162] : memref<10000x128xf32, #tpu.memory_space<hbm>> -> memref<10000x128xf32, #tpu.memory_space<hbm>>
      %dma_wait3A_164 = tpu.memref_slice %arg10[%rem3A_143] : memref<3x!tpu.dma_semaphore, #tpu.memory_space<semaphore_mem>> -> memref<1x!tpu.dma_semaphore, #tpu.memory_space<semaphore_mem>>
      %dma_wait3A_165 = tpu.memref_squeeze %dma_wait3A_164 : memref<1x!tpu.dma_semaphore, #tpu.memory_space<semaphore_mem>> -> memref<!tpu.dma_semaphore, #tpu.memory_space<semaphore_mem>>
      tpu.wait_indirect_dma semaphore(%dma_wait3A_165 : memref<!tpu.dma_semaphore, #tpu.memory_space<semaphore_mem>>) src(%dma_wait3A_163 : memref<10000x128xf32, #tpu.memory_space<hbm>>) dst(%dma_wait3A_158 : memref<80x128xf32, #tpu.memory_space<vmem>>)
      %dma_wait3A_166 = arith.constant 0 : i32
      %dma_wait3A_167 = arith.constant 128 : i32
      %dma_wait3A_168 = tpu.memref_slice %arg9[%rem3A_143, %dma_wait3A_166, %dma_wait3A_167] : memref<3x80x272xf32, #tpu.memory_space<vmem>> -> memref<1x80x128xf32, #tpu.memory_space<vmem>>
      %dma_wait3A_169 = tpu.memref_squeeze %dma_wait3A_168 : memref<1x80x128xf32, #tpu.memory_space<vmem>> -> memref<80x128xf32, #tpu.memory_space<vmem>>
      %dma_wait3A_170 = arith.constant 0 : i32
      %dma_wait3A_171 = tpu.memref_slice %arg8[%dma_wait3A_170] : memref<10000xi32, #tpu.memory_space<vmem>> -> memref<80xi32, #tpu.memory_space<vmem>>
      %dma_wait3A_172 = arith.constant 0 : i32
      %dma_wait3A_173 = arith.constant 0 : i32
      %dma_wait3A_174 = tpu.memref_slice %arg2[%dma_wait3A_172, %dma_wait3A_173] : memref<10000x128xf32, #tpu.memory_space<hbm>> -> memref<10000x128xf32, #tpu.memory_space<hbm>>
      %dma_wait3A_175 = tpu.memref_slice %arg10[%rem3A_143] : memref<3x!tpu.dma_semaphore, #tpu.memory_space<semaphore_mem>> -> memref<1x!tpu.dma_semaphore, #tpu.memory_space<semaphore_mem>>
      %dma_wait3A_176 = tpu.memref_squeeze %dma_wait3A_175 : memref<1x!tpu.dma_semaphore, #tpu.memory_space<semaphore_mem>> -> memref<!tpu.dma_semaphore, #tpu.memory_space<semaphore_mem>>
      tpu.wait_indirect_dma semaphore(%dma_wait3A_176 : memref<!tpu.dma_semaphore, #tpu.memory_space<semaphore_mem>>) src(%dma_wait3A_174 : memref<10000x128xf32, #tpu.memory_space<hbm>>) dst(%dma_wait3A_169 : memref<80x128xf32, #tpu.memory_space<vmem>>)
      %dma_wait3A_177 = arith.constant 0 : i32
      %dma_wait3A_178 = arith.constant 256 : i32
      %dma_wait3A_179 = tpu.memref_slice %arg9[%rem3A_143, %dma_wait3A_177, %dma_wait3A_178] : memref<3x80x272xf32, #tpu.memory_space<vmem>> -> memref<1x80x16xf32, #tpu.memory_space<vmem>>
      %dma_wait3A_180 = tpu.memref_squeeze %dma_wait3A_179 : memref<1x80x16xf32, #tpu.memory_space<vmem>> -> memref<80x16xf32, #tpu.memory_space<vmem>>
      %dma_wait3A_181 = arith.constant 0 : i32
      %dma_wait3A_182 = arith.constant 0 : i32
      %dma_wait3A_183 = tpu.memref_slice %arg3[%dma_wait3A_181, %dma_wait3A_182] : memref<320000x16xf32, #tpu.memory_space<hbm>> -> memref<80x16xf32, #tpu.memory_space<hbm>>
      %dma_wait3A_184 = tpu.memref_slice %arg10[%rem3A_143] : memref<3x!tpu.dma_semaphore, #tpu.memory_space<semaphore_mem>> -> memref<1x!tpu.dma_semaphore, #tpu.memory_space<semaphore_mem>>
      %dma_wait3A_185 = tpu.memref_squeeze %dma_wait3A_184 : memref<1x!tpu.dma_semaphore, #tpu.memory_space<semaphore_mem>> -> memref<!tpu.dma_semaphore, #tpu.memory_space<semaphore_mem>>
      %dma_wait3A_186 = arith.constant 0 : i32
      %dma_wait3A_187 = arith.constant 256 : i32
      %dma_wait3A_188 = tpu.memref_slice %arg9[%rem3A_143, %dma_wait3A_186, %dma_wait3A_187] : memref<3x80x272xf32, #tpu.memory_space<vmem>> -> memref<1x80x16xf32, #tpu.memory_space<vmem>>
      %dma_wait3A_189 = tpu.memref_squeeze %dma_wait3A_188 : memref<1x80x16xf32, #tpu.memory_space<vmem>> -> memref<80x16xf32, #tpu.memory_space<vmem>>
      %dma_wait3A_190 = arith.constant 0 : i32
      %dma_wait3A_191 = arith.constant 0 : i32
      %dma_wait3A_192 = tpu.memref_slice %arg3[%dma_wait3A_190, %dma_wait3A_191] : memref<320000x16xf32, #tpu.memory_space<hbm>> -> memref<80x16xf32, #tpu.memory_space<hbm>>
      tpu.wait_dma2 semaphore(%dma_wait3A_185 : memref<!tpu.dma_semaphore, #tpu.memory_space<semaphore_mem>>) src(%dma_wait3A_192 : memref<80x16xf32, #tpu.memory_space<hbm>>) dst(%dma_wait3A_189 : memref<80x16xf32, #tpu.memory_space<vmem>>)
      %mul3A_193 = arith.constant 80 : i32
      %mul3A_194 = arith.muli %scan3A_142, %mul3A_193 : i32
      %add3A_195 = arith.addi %multiple_of3A, %mul3A_194 : i32
      %multiple_of3A_196 = tpu.assume_multiple %add3A_195, 8 : i32
      %dma_start3A_197 = arith.constant 0 : i32
      %dma_start3A_198 = arith.constant 0 : i32
      %dma_start3A_199 = tpu.memref_slice %arg9[%rem3A_143, %dma_start3A_197, %dma_start3A_198] : memref<3x80x272xf32, #tpu.memory_space<vmem>> -> memref<1x80x272xf32, #tpu.memory_space<vmem>>
      %dma_start3A_200 = tpu.memref_squeeze %dma_start3A_199 : memref<1x80x272xf32, #tpu.memory_space<vmem>> -> memref<80x272xf32, #tpu.memory_space<vmem>>
      %dma_start3A_201 = arith.constant 0 : i32
      %dma_start3A_202 = tpu.memref_slice %arg6[%multiple_of3A_196, %dma_start3A_201] : memref<320000x272xf32, #tpu.memory_space<hbm>> -> memref<80x272xf32, #tpu.memory_space<hbm>>
      %dma_start3A_203 = tpu.memref_slice %arg11[%rem3A_143] : memref<3x!tpu.dma_semaphore, #tpu.memory_space<semaphore_mem>> -> memref<1x!tpu.dma_semaphore, #tpu.memory_space<semaphore_mem>>
      %dma_start3A_204 = tpu.memref_squeeze %dma_start3A_203 : memref<1x!tpu.dma_semaphore, #tpu.memory_space<semaphore_mem>> -> memref<!tpu.dma_semaphore, #tpu.memory_space<semaphore_mem>>
      %dma_start3A_205 = arith.constant 0 : i32
      %dma_start3A_206 = tpu.memref_slice %arg6[%multiple_of3A_196, %dma_start3A_205] : memref<320000x272xf32, #tpu.memory_space<hbm>> -> memref<80x272xf32, #tpu.memory_space<hbm>>
      %dma_start3A_207 = arith.constant 0 : i32
      %dma_start3A_208 = arith.constant 0 : i32
      %dma_start3A_209 = tpu.memref_slice %arg9[%rem3A_143, %dma_start3A_207, %dma_start3A_208] : memref<3x80x272xf32, #tpu.memory_space<vmem>> -> memref<1x80x272xf32, #tpu.memory_space<vmem>>
      %dma_start3A_210 = tpu.memref_squeeze %dma_start3A_209 : memref<1x80x272xf32, #tpu.memory_space<vmem>> -> memref<80x272xf32, #tpu.memory_space<vmem>>
      tpu.enqueue_dma source(%dma_start3A_210 : memref<80x272xf32, #tpu.memory_space<vmem>>) target(%dma_start3A_206 : memref<80x272xf32, #tpu.memory_space<hbm>>) target_semaphore(%dma_start3A_204 : memref<!tpu.dma_semaphore, #tpu.memory_space<semaphore_mem>>)
    }
    %scan3A_94 = arith.constant 125 : i32
    %dma_wait3A = arith.constant 2 : i32
    %dma_wait3A_95 = arith.constant 2 : i32
    %dma_wait3A_96 = arith.constant 0 : i32
    %dma_wait3A_97 = arith.constant 0 : i32
    %dma_wait3A_98 = tpu.memref_slice %arg9[%dma_wait3A, %dma_wait3A_96, %dma_wait3A_97] : memref<3x80x272xf32, #tpu.memory_space<vmem>> -> memref<1x80x272xf32, #tpu.memory_space<vmem>>
    %dma_wait3A_99 = tpu.memref_squeeze %dma_wait3A_98 : memref<1x80x272xf32, #tpu.memory_space<vmem>> -> memref<80x272xf32, #tpu.memory_space<vmem>>
    %dma_wait3A_100 = arith.constant 0 : i32
    %dma_wait3A_101 = tpu.memref_slice %arg6[%multiple_of3A, %dma_wait3A_100] : memref<320000x272xf32, #tpu.memory_space<hbm>> -> memref<80x272xf32, #tpu.memory_space<hbm>>
    %dma_wait3A_102 = tpu.memref_slice %arg11[%dma_wait3A_95] : memref<3x!tpu.dma_semaphore, #tpu.memory_space<semaphore_mem>> -> memref<1x!tpu.dma_semaphore, #tpu.memory_space<semaphore_mem>>
    %dma_wait3A_103 = tpu.memref_squeeze %dma_wait3A_102 : memref<1x!tpu.dma_semaphore, #tpu.memory_space<semaphore_mem>> -> memref<!tpu.dma_semaphore, #tpu.memory_space<semaphore_mem>>
    %dma_wait3A_104 = arith.constant 0 : i32
    %dma_wait3A_105 = tpu.memref_slice %arg6[%multiple_of3A, %dma_wait3A_104] : memref<320000x272xf32, #tpu.memory_space<hbm>> -> memref<80x272xf32, #tpu.memory_space<hbm>>
    %dma_wait3A_106 = arith.constant 0 : i32
    %dma_wait3A_107 = arith.constant 0 : i32
    %dma_wait3A_108 = tpu.memref_slice %arg9[%dma_wait3A, %dma_wait3A_106, %dma_wait3A_107] : memref<3x80x272xf32, #tpu.memory_space<vmem>> -> memref<1x80x272xf32, #tpu.memory_space<vmem>>
    %dma_wait3A_109 = tpu.memref_squeeze %dma_wait3A_108 : memref<1x80x272xf32, #tpu.memory_space<vmem>> -> memref<80x272xf32, #tpu.memory_space<vmem>>
    tpu.wait_dma2 semaphore(%dma_wait3A_103 : memref<!tpu.dma_semaphore, #tpu.memory_space<semaphore_mem>>) src(%dma_wait3A_109 : memref<80x272xf32, #tpu.memory_space<vmem>>) dst(%dma_wait3A_105 : memref<80x272xf32, #tpu.memory_space<hbm>>)
    %dma_wait3A_110 = arith.constant 0 : i32
    %dma_wait3A_111 = arith.constant 0 : i32
    %dma_wait3A_112 = arith.constant 0 : i32
    %dma_wait3A_113 = arith.constant 0 : i32
    %dma_wait3A_114 = tpu.memref_slice %arg9[%dma_wait3A_110, %dma_wait3A_112, %dma_wait3A_113] : memref<3x80x272xf32, #tpu.memory_space<vmem>> -> memref<1x80x272xf32, #tpu.memory_space<vmem>>
    %dma_wait3A_115 = tpu.memref_squeeze %dma_wait3A_114 : memref<1x80x272xf32, #tpu.memory_space<vmem>> -> memref<80x272xf32, #tpu.memory_space<vmem>>
    %dma_wait3A_116 = arith.constant 0 : i32
    %dma_wait3A_117 = tpu.memref_slice %arg6[%multiple_of3A, %dma_wait3A_116] : memref<320000x272xf32, #tpu.memory_space<hbm>> -> memref<80x272xf32, #tpu.memory_space<hbm>>
    %dma_wait3A_118 = tpu.memref_slice %arg11[%dma_wait3A_111] : memref<3x!tpu.dma_semaphore, #tpu.memory_space<semaphore_mem>> -> memref<1x!tpu.dma_semaphore, #tpu.memory_space<semaphore_mem>>
    %dma_wait3A_119 = tpu.memref_squeeze %dma_wait3A_118 : memref<1x!tpu.dma_semaphore, #tpu.memory_space<semaphore_mem>> -> memref<!tpu.dma_semaphore, #tpu.memory_space<semaphore_mem>>
    %dma_wait3A_120 = arith.constant 0 : i32
    %dma_wait3A_121 = tpu.memref_slice %arg6[%multiple_of3A, %dma_wait3A_120] : memref<320000x272xf32, #tpu.memory_space<hbm>> -> memref<80x272xf32, #tpu.memory_space<hbm>>
    %dma_wait3A_122 = arith.constant 0 : i32
    %dma_wait3A_123 = arith.constant 0 : i32
    %dma_wait3A_124 = tpu.memref_slice %arg9[%dma_wait3A_110, %dma_wait3A_122, %dma_wait3A_123] : memref<3x80x272xf32, #tpu.memory_space<vmem>> -> memref<1x80x272xf32, #tpu.memory_space<vmem>>
    %dma_wait3A_125 = tpu.memref_squeeze %dma_wait3A_124 : memref<1x80x272xf32, #tpu.memory_space<vmem>> -> memref<80x272xf32, #tpu.memory_space<vmem>>
    tpu.wait_dma2 semaphore(%dma_wait3A_119 : memref<!tpu.dma_semaphore, #tpu.memory_space<semaphore_mem>>) src(%dma_wait3A_125 : memref<80x272xf32, #tpu.memory_space<vmem>>) dst(%dma_wait3A_121 : memref<80x272xf32, #tpu.memory_space<hbm>>)
    %dma_wait3A_126 = arith.constant 1 : i32
    %dma_wait3A_127 = arith.constant 1 : i32
    %dma_wait3A_128 = arith.constant 0 : i32
    %dma_wait3A_129 = arith.constant 0 : i32
    %dma_wait3A_130 = tpu.memref_slice %arg9[%dma_wait3A_126, %dma_wait3A_128, %dma_wait3A_129] : memref<3x80x272xf32, #tpu.memory_space<vmem>> -> memref<1x80x272xf32, #tpu.memory_space<vmem>>
    %dma_wait3A_131 = tpu.memref_squeeze %dma_wait3A_130 : memref<1x80x272xf32, #tpu.memory_space<vmem>> -> memref<80x272xf32, #tpu.memory_space<vmem>>
    %dma_wait3A_132 = arith.constant 0 : i32
    %dma_wait3A_133 = tpu.memref_slice %arg6[%multiple_of3A, %dma_wait3A_132] : memref<320000x272xf32, #tpu.memory_space<hbm>> -> memref<80x272xf32, #tpu.memory_space<hbm>>
    %dma_wait3A_134 = tpu.memref_slice %arg11[%dma_wait3A_127] : memref<3x!tpu.dma_semaphore, #tpu.memory_space<semaphore_mem>> -> memref<1x!tpu.dma_semaphore, #tpu.memory_space<semaphore_mem>>
    %dma_wait3A_135 = tpu.memref_squeeze %dma_wait3A_134 : memref<1x!tpu.dma_semaphore, #tpu.memory_space<semaphore_mem>> -> memref<!tpu.dma_semaphore, #tpu.memory_space<semaphore_mem>>
    %dma_wait3A_136 = arith.constant 0 : i32
    %dma_wait3A_137 = tpu.memref_slice %arg6[%multiple_of3A, %dma_wait3A_136] : memref<320000x272xf32, #tpu.memory_space<hbm>> -> memref<80x272xf32, #tpu.memory_space<hbm>>
    %dma_wait3A_138 = arith.constant 0 : i32
    %dma_wait3A_139 = arith.constant 0 : i32
    %dma_wait3A_140 = tpu.memref_slice %arg9[%dma_wait3A_126, %dma_wait3A_138, %dma_wait3A_139] : memref<3x80x272xf32, #tpu.memory_space<vmem>> -> memref<1x80x272xf32, #tpu.memory_space<vmem>>
    %dma_wait3A_141 = tpu.memref_squeeze %dma_wait3A_140 : memref<1x80x272xf32, #tpu.memory_space<vmem>> -> memref<80x272xf32, #tpu.memory_space<vmem>>
    tpu.wait_dma2 semaphore(%dma_wait3A_135 : memref<!tpu.dma_semaphore, #tpu.memory_space<semaphore_mem>>) src(%dma_wait3A_141 : memref<80x272xf32, #tpu.memory_space<vmem>>) dst(%dma_wait3A_137 : memref<80x272xf32, #tpu.memory_space<hbm>>)
    return
  }
}

</mosaic_0001>

<sc_bundles>
// kernel: kernel.3.cloned.1.call-start
scs
__scs_entry_jumppad:
0x0: {  	(pc) =	sbr.rel $0x88, $3  }
0x1: {  	(tag) =	ssettag $0x0;
	lr =	simm.s32 $0x1  }
0x2: {  	[smem:$0x3F9D] =	sst lr;
	_ =	strace $0xD0000000  }
0x3: {  	_ = 	snop  }
0x4: {  	_ = 	snop  }
0x5: {  	_ = 	snop  }
0x6: {  	_ = 	snop  }
0x7: {  	_ = 	snop  }
__scs_overlays_trampoline_lowered:
0x8: {  	[smem:$0x3FAC] =	sst s0  }
0x9: {  	[smem:$0x3FAD] =	sst s1  }
0xa: {  	[smem:$0x3FAE] =	sst s2  }
0xb: {  	[smem:$0x3FAF] =	sst s3  }
0xc: {  	[smem:$0x3FB0] =	sst s4  }
0xd: {  	[smem:$0x3FB1] =	sst s5  }
0xe: {  	[smem:$0x3FB2] =	sst s6  }
0xf: {  	[smem:$0x3FB3] =	sst s7  }
0x10: {  	[smem:$0x3FB4] =	sst s8  }
0x11: {  	[smem:$0x3FB5] =	sst s9;
	s0 =	simm.s32 @!p0 $0x0  }
0x12: {  	s1 =	sld [smem:$0x3F9B];
	s0 =	simm.s32 @p0 $0x1  }
0x13: {  	[smem:$0x3FB6] =	sst s0;
	s0 =	simm.s32 @!p1 $0x0  }
0x14: {  	s2 =	sld [smem:$0x3F9A];
	s0 =	simm.s32 @p1 $0x1  }
0x15: {  	[smem:$0x3FB7] =	sst s0;
	s0 =	simm.s32 @!p2 $0x0  }
0x16: {  	s3 =	sld [smem:$0x3FDB];
	s0 =	simm.s32 @p2 $0x1  }
0x17: {  	s4 =	simm.s32 $0x1BF5;
	[smem:$0x3FB9] =	sst s0  }
0x18: {  	s0 =	sld [smem:$0x3F9C];
	_ =	swait.ge [sflag:s4], $0x0  }
0x19: {  	s7 =	sld [smem:$0x3F9D]  }
0x1a: {  	s8 =	sadd.s32 $0xFFFFE003, lr  }
0x1b: {  	s9 =	sadd.s32 $0xFFFFFEF7, lr;
	s5 =	simm.s32 $0xFFFFFFFF;
	p2 =	slt.u32 s8, $0xFFFFF086  }
0x1c: {  	p1 =	slt.u32 s9, $0xF7A;
	s5 =	simm.s32 @!p2 $0x0  }
0x1d: {  	s5 =	simm.s32 @p1 $0x1;
	p0 =	seq.s32 s7, s2  }
0x1e: {  	s7 =	smul.u32 @!p0 $0xF7A, s2;
	p2 =	seq.s32 @!p0 s5, $0x0  }
0x1f: {  	s9 =	smul.u32 $0xF7A, s1;
	s8 =	simm.s32 @!p0 $0x1BF5;
	p2 =	por !p2, p0  }
0x20: {  	[sflag:s8] =	ssyncset.s32 @!p0 $0xFFFFF086;
	s6 =	sadd.s32 @!p0 s3, s7;
	s7 =	simm.s32 @!p0 $0x108  }
0x21: {  	s3 =	sadd.s32 s3, s9;
	s6 =	sadd.s32 @!p0 $0x88, s6;
	s7 =	simm.s32 @p2 $0x1082  }
0x22: {  	[simem:s7], [sflag:s8] =	dma.local @!p0 [hbm:s6], $0xF7A  }
0x23: {  	s9 =	sor.u32 $0xD0000000, s2;
	s6 =	simm.s32 $0x108;
	_ =	swait.ge @!p0 [sflag:s8], $0x0  }
0x24: {  	s3 =	sadd.s32 $0x88, s3;
	s6 =	simm.s32 @!p1 $0x1082;
	[sflag:s4] =	ssyncset.s32 $0xFFFFF086  }
0x25: {  	[simem:s6], [sflag:s4] =	dma.local [hbm:s3], $0xF7A  }
0x26: {  	[smem:$0x3F9D] =	sst s1;
	(tag) =	ssettag s2;
	_ =	strace s9  }
0x27: {  	s1 =	sld [smem:$0x3FAD]  }
0x28: {  	s2 =	sld [smem:$0x3FAE]  }
0x29: {  	s4 =	sld [smem:$0x3FB0]  }
0x2a: {  	p0 =	seq.s32 s5, $0x0;
	s5 =	sld [smem:$0x3FB1]  }
0x2b: {  	s6 =	sld [smem:$0x3FB2]  }
0x2c: {  	s7 =	sld [smem:$0x3FB3]  }
0x2d: {  	s3 =	simm.s32 $0x108;
	s8 =	sld [smem:$0x3FB4]  }
0x2e: {  	s3 =	simm.s32 @!p0 $0x1082;
	s9 =	sld [smem:$0x3FB5]  }
0x2f: {  	lr =	sadd.s32 s0, s3;
	s0 =	sld [smem:$0x3FAC]  }
0x30: {  	s3 =	sld [smem:$0x3FAF]  }
0x31: {  	[smem:$0x3FB8] =	sst s10  }
0x32: {  	s10 =	sld [smem:$0x3FB6];
	_ =	sdelay $0x3  }
0x33: {  	p0 =	seq.s32 s10, $0x1;
	s10 =	sld [smem:$0x3FB8];
	_ =	sdelay $0x3  }
0x34: {  	[smem:$0x3FB8] =	sst s10  }
0x35: {  	s10 =	sld [smem:$0x3FB7];
	_ =	sdelay $0x3  }
0x36: {  	p1 =	seq.s32 s10, $0x1;
	s10 =	sld [smem:$0x3FB8];
	_ =	sdelay $0x3  }
0x37: {  	[smem:$0x3FB8] =	sst s10  }
0x38: {  	s10 =	sld [smem:$0x3FB9]  }
0x39: {  	_ = 	snop;
	(pc) =	sbr.ind lr, $3  }
0x3a: {  	_ = 	snop  }
0x3b: {  	_ = 	snop  }
0x3c: {  	p2 =	seq.s32 s10, $0x1;
	s10 =	sld [smem:$0x3FB8]  }
0x3d: {  	_ =	shalt  }
0x3e: {  	_ =	shalt  }
0x3f: {  	_ =	shalt  }
0x40: {  	_ =	shalt  }
0x41: {  	_ =	shalt  }
0x42: {  	_ =	shalt  }
0x43: {  	_ =	shalt  }
0x44: {  	_ =	shalt  }
0x45: {  	_ =	shalt  }
0x46: {  	_ =	shalt  }
0x47: {  	_ =	shalt  }
0x48: {  	_ =	shalt  }
0x49: {  	_ =	shalt  }
0x4a: {  	_ =	shalt  }
0x4b: {  	_ =	shalt  }
0x4c: {  	_ =	shalt  }
0x4d: {  	_ =	shalt  }
0x4e: {  	_ =	shalt  }
0x4f: {  	_ =	shalt  }
0x50: {  	_ =	shalt  }
0x51: {  	_ =	shalt  }
0x52: {  	_ =	shalt  }
0x53: {  	_ =	shalt  }
0x54: {  	_ =	shalt  }
0x55: {  	_ =	shalt  }
0x56: {  	_ =	shalt  }
0x57: {  	_ =	shalt  }
0x58: {  	_ =	shalt  }
0x59: {  	_ =	shalt  }
0x5a: {  	_ =	shalt  }
0x5b: {  	_ =	shalt  }
0x5c: {  	_ =	shalt  }
0x5d: {  	_ =	shalt  }
0x5e: {  	_ =	shalt  }
0x5f: {  	_ =	shalt  }
0x60: {  	_ =	shalt  }
0x61: {  	_ =	shalt  }
0x62: {  	_ =	shalt  }
0x63: {  	_ =	shalt  }
0x64: {  	_ =	shalt  }
0x65: {  	_ =	shalt  }
0x66: {  	_ =	shalt  }
0x67: {  	_ =	shalt  }
0x68: {  	_ =	shalt  }
0x69: {  	_ =	shalt  }
0x6a: {  	_ =	shalt  }
0x6b: {  	_ =	shalt  }
0x6c: {  	_ =	shalt  }
0x6d: {  	_ =	shalt  }
0x6e: {  	_ =	shalt  }
0x6f: {  	_ =	shalt  }
0x70: {  	_ =	shalt  }
0x71: {  	_ =	shalt  }
0x72: {  	_ =	shalt  }
0x73: {  	_ =	shalt  }
0x74: {  	_ =	shalt  }
0x75: {  	_ =	shalt  }
0x76: {  	_ =	shalt  }
0x77: {  	_ =	shalt  }
0x78: {  	_ =	shalt  }
0x79: {  	_ =	shalt  }
0x7a: {  	_ =	shalt  }
0x7b: {  	_ =	shalt  }
0x7c: {  	_ =	shalt  }
0x7d: {  	_ =	shalt  }
0x7e: {  	_ =	shalt  }
0x7f: {  	_ =	shalt  }
0x80: {  	_ =	shalt  }
0x81: {  	_ =	shalt  }
0x82: {  	_ =	shalt  }
0x83: {  	_ =	shalt  }
0x84: {  	_ =	shalt  }
0x85: {  	_ =	shalt  }
0x86: {  	_ =	shalt  }
0x87: {  	_ =	shalt  }
.Lfunc_end0:
.L_simem_size_0:
called_computation_lowered:
.L_overlay_start_0:
0x88: {  	s2 =	sld [smem:$0x3FD9]  }
0x89: {  	s3 =	sld [smem:$0x3FFE];
	_ =	sdelay $0x1  }
0x8a: {  	s1 =	srdreg.scid  }
0x8b: {  	s0 =	sand.u32 $0x1, s1  }
0x8c: {  	s17 =	sshll.u32 s0, $0xA;
	s2 =	sadd.s32 s3, s2  }
0x8d: {  	s2 =	sadd.s32 s2, s17  }
0x8e: {  	[smem:$0x3FC4] =	sst s2  }
0x8f: {  	_ = 	snop  }
0x90: {  	s2 =	sld [smem:$0x3FC9]  }
0x91: {  	s18 =	sld [smem:$0x3FC7]  }
0x92: {  	s4 =	sld [smem:$0x3FC6]  }
0x93: {  	s5 =	sld [smem:$0x3FD0];
	(tm) =	ssettm $0x1  }
0x94: {  	s6 =	sld [smem:$0x3FFB];
	_ =	sdelay $0x3  }
0x95: {  	_ =	strace s6  }
0x96: {  	s6 =	sld [smem:$0x3FFC];
	_ =	sdelay $0x3  }
0x97: {  	_ =	strace s6  }
0x98: {  	s6 =	sld [smem:$0x3FFD];
	_ =	sdelay $0x3  }
0x99: {  	_ =	strace s6  }
0x9a: {  	_ =	strace $0x8FFFFFFF  }
0x9b: {  	s19 =	sld [smem:$0x3FDB];
	_ =	sdelay $0x1  }
0x9c: {  	s7 =	simm.s32 $_scs_section_size  }
0x9d: {  	s8 =	simm.s32 $_size__tile_overlayer_lowered;
	s9 =	simm.s32 $_tile_overlayer_lowered  }
0x9e: {  	s22 =	simm.s32 $0x1BFF;
	s21 =	sshll.u32 s9, $0x1;
	s6 =	sadd.s32 s7, s19  }
0x9f: {  	s10 =	simm.s32 $0x0;
	s20 =	sshll.u32 s8, $0x1;
	s8 =	sadd.s32 s21, s6  }
0xa0: {  	[timem:s10], [sflag:s22] =	dma.local [hbm:s8], s20  }
0xa1: {  	_ =	swait.ge [sflag:s22], s20  }
0xa2: {  	s7 =	ssub.s32 $0x0, s20;
	[sflag:s22] =	ssyncset.done $0x0  }
0xa3: {  	[sflag:s22] =	ssyncadd.s32 s7;
	_ =	sdelay $0x1  }
0xa4: {  	s23 =	simm.s32 $0x1B8B  }
0xa5: {  	_ =	swait.ge [sflag:s23], $0x1  }
0xa6: {  	[sflag:s23] =	ssyncset.done $0x0  }
0xa7: {  	s25 =	simm.s32 $0x1B8E;
	s24 =	sld [smem:$0x3FFE];
	[sflag:s23] =	ssyncadd.s32 $0xFFFFFFFF  }
0xa8: {  	s26 =	simm.s32 $execute0_lowered;
	[smem:$0x3FD2] =	sst s25  }
0xa9: {  	s8 =	sshll.u32 s26, $0x1;
	_ =	strace $0x80000046;
	[dreg:$0x1] =	wrdreg $0xFFFFFFFF  }
0xaa: {  	s28 =	simm.s32 $_size_execute0_lowered;
	s6 =	sadd.s32 s6, s8;
	[dreg:$0x0] =	wrdreg $0x0  }
0xab: {  	s8 =	sshll.u32 s28, $0x1;
	[dreg:$0x2] =	wrdreg s6  }
0xac: {  	[dreg:$0x3] =	wrdreg s8  }
0xad: {  	[dreg:$0x4] =	wrdreg $0xC0  }
0xae: {  	_ =	task [dreg:s10], $0x5FFFF  }
0xaf: {  	[dreg:$0x1] =	wrdreg $0xFFFFFFFF  }
0xb0: {  	[dreg:$0x0] =	wrdreg $0x60  }
0xb1: {  	[dreg:$0x2] =	wrdreg s2  }
0xb2: {  	[dreg:$0x3] =	wrdreg s5  }
0xb3: {  	[dreg:$0x4] =	wrdreg s18  }
0xb4: {  	[dreg:$0x5] =	wrdreg s4  }
0xb5: {  	[dreg:$0x6] =	wrdreg s24  }
0xb6: {  	[dreg:$0x7] =	wrdreg $0x9  }
0xb7: {  	_ =	task.clear_ibuf [dreg:s10], $0x8FFFF;
	_ =	strace $0x90000046  }
0xb8: {  	s29 =	simm.s32 $0x9;
	_ =	strace $0x80000048  }
0xb9: {  	_ =	swait.ge [sflag:s29], $0x1  }
0xba: {  	[sflag:s29] =	ssyncadd.s32 $0xFFFFFFFF  }
0xbb: {  	_ =	strace $0x90000048  }
0xbc: {  	_ =	sfence  }
0xbd: {  	s30 =	sld [smem:$0x0];
	_ =	sdelay $0x2  }
0xbe: {  	s31 =	sshll.u32 s1, $0xD;
	s1 =	sshrl.u32 s1, $0x2  }
0xbf: {  	s3 =	sand.u32 $0x4000, s31;
	s1 =	sadd.s32 s1, s30  }
0xc0: {  	s0 =	sor.u32 s3, s0;
	s1 =	sshll.u32 s1, $0x11  }
0xc1: {  	s0 =	sor.u32 s1, s0  }
0xc2: {  	s0 =	sadd.s32 $0x8F2B, s0  }
0xc3: {  	[sflag:s0] =	ssyncadd.remote.s32 $0x1  }
0xc4: {  	_ =	sfence.sel $0xFFFF  }
0xc5: {  	[dreg:$0x0] =	wrdreg $0xFFFFFFFF;
	(pc) =	sbr.abs _section_cstart, $3  }
0xc6: {  	[dreg:$0x1] =	wrdreg $0xFFFFFFFF  }
0xc7: {  	_ =	task.clear_ibuf [dreg:s10], $0x2FFFF;
	_ =	strace $0x9FFFFFFF  }
0xc8: {  	(tm) =	ssettm $0x7FFFFFFF  }
0xc9: {  	_ =	shalt  }
tec
execute0_lowered:
.L_overlay_start_1:
0x0: {  	(tag) =	ssettag $0x1  }
0x1: {  	s1 =	rddreg [dreg:$0x0]  }
0x2: {  	s2 =	rddreg [dreg:$0x1]  }
0x3: {  	s0 =	srdreg.scid;
	s4 =	rddreg [dreg:$0x2]  }
0x4: {  	s13 =	stileid.u32;
	s6 =	rddreg [dreg:$0x3]  }
0x5: {  	s7 =	rddreg [dreg:$0x4];
	s28 =	simm.s32 $0x11700;
	s3 =	smul.u32 $0x4E20, s13  }
0x6: {  	s29 =	simm.s32 $0x12300;
	s0 =	sand.u32 $0x1, s0;
	s26 =	smul.u32 $0x4E200, s13  }
0x7: {  	s30 =	simm.s32 $0x12F00;
	s8 =	sshll.u32 s13, $0x1;
	s5 =	smul.u32 $0x2710, s0  }
0x8: {  	s8 =	sor.u32 s0, s8;
	s10 =	ssub.s32 $0x2, s0;
	s0 =	smul.u32 $0x27100, s0  }
0x9: {  	s31 =	simm.s32 $0x13B00;
	s13 =	simm.s32 $0x0;
	s9 =	smul.u32 $0x2710, s8  }
0xa: {  	s11 =	smul.u32 $0x27100, s8;
	s22 =	sshrl.u32 s10, $0x1;
	s3 =	sadd.s32 s5, s3  }
0xb: {  	s23 =	smul.u32 $0x138800, s8;
	s24 =	ssub.s32 s10, s22;
	s5 =	sshrl.u32 s3, $0x3  }
0xc: {  	s3 =	simm.s32 $0x0;
	s25 =	sshrl.u32 s9, $0x3;
	s9 =	sadd.s32 s26, s2  }
0xd: {  	s8 =	smax.u32 s24, $0x1;
	s26 =	simm.s32 $0x10B00;
	s5 =	smul.u32 $0x180, s5  }
0xe: {  	[smem:$0x7FF] =	sst s3;
	s4 =	sadd.s32 s4, s25;
	s0 =	sadd.s32 s0, s9  }
.Ltmp0:
0xf: {  	_ =	strace $0x80000047;
	s17 =	sadd.s32 $0xA00, s0;
	(pc) =	sbr.rel .LBB2_1-.Ltmp0, $4  }
0x10: {  	s0 =	simm.s32 $0x4;
	s12 =	sadd.s32 s5, s7;
	s7 =	sshrl.u32 s23, $0x3  }
0x11: {  	v2 =	vlaneseq.u32;
	s5 =	sadd.s32 s6, s25;
	s6 =	sadd.s32 s2, s11;
	s11 =	simm.s32 $0x7  }
0x12: {  	vm0 =	vmmov $0xff;
	v1 =	vshrl.u32 v2, $0x3;
	s25 =	simm.s32 $0xFF00;
	s7 =	sadd.s32 s2, s7;
	s18 =	sadd.s32 $0x400, s12  }
0x13: {  	v0 =	vand.u32 $0x7, v2;
	v2 =	vor.u32 $0x8, v2;
	v1 =	vmul.u32 $0x8, v1;
	s2 =	simm.s32 $0x6;
	s12 =	simm.s32 $0x5;
	s7 =	sadd.s32 $0x500, s7  }
.LBB2_5:
0x14: {  	_ =	swait.ge [sflag:s2], $0x7800  }
0x15: {  	[sflag:s2] =	ssyncset.done $0x0  }
0x16: {  	s13 =	sadd.s32 $0x1, s13;
	[sflag:s2] =	ssyncadd.s32 $0xFFFF8800  }
0x17: {  	p0 =	sne.s32 s13, s8;
	_ =	swait.ge [sflag:s0], $0x7800  }
.Ltmp1:
0x18: {  	[sflag:s0] =	ssyncset.done $0x0;
	(pc) =	sbr.rel @!p0 .LBB2_6-.Ltmp1, $4  }
0x19: {  	[sflag:s0] =	ssyncadd.s32 $0xFFFF8800  }
0x1a: {  	_ =	swait.ge [sflag:s12], $0x7800  }
0x1b: {  	[sflag:s12] =	ssyncset.done $0x0  }
0x1c: {  	[sflag:s12] =	ssyncadd.s32 $0xFFFF8800  }
.LBB2_1:
0x1d: {  	[tilespmem:s3], [sflag:$0x7] =	stream.linear.gather [hbm4b:s4+s3], $0x2710, $0x38;
	[tilespmem:$0x1B700] =	vst v63  }
0x1e: {  	_ =	swait.ge [sflag:s11], $0x2710  }
0x1f: {  	[sflag:s11] =	ssyncset.done $0x0  }
0x20: {  	s9 =	simm.s32 $0x2780;
	[sflag:s11] =	ssyncadd.s32 $0xFFFFD8F0  }
0x21: {  	[tilespmem:s9], [sflag:$0x7] =	stream.linear.gather [hbm4b:s5+s3], $0x2710, $0x38;
	[tilespmem:$0x1B700] =	vst v63  }
0x22: {  	_ =	swait.ge [sflag:s11], $0x2710  }
0x23: {  	[sflag:s11] =	ssyncset.done $0x0  }
0x24: {  	[sflag:s11] =	ssyncadd.s32 $0xFFFFD8F0  }
0x25: {  	v3 =	vld [tilespmem:$0x0];
	_ =	sdelay $0x4  }
0x26: {  	v4 =	vperm.xlane v3, v0;
	_ =	sdelay $0x1  }
0x27: {  	v3 =	vperm.xlane v3, v2;
	v4 =	vadd.s32 v1, v4;
	_ =	sdelay $0x1  }
0x28: {  	v3 =	vadd.s32 v1, v3;
	_ =	sdelay $0x1  }
0x29: {  	s23 =	simm.s32 $0x4F00  }
0x2a: {  	[tilespmem:s23], [sflag:$0x1] =	stream.indirect_vreg.gather [hbm4b:s1+s3], $0x80, v4, vm0, $0xb8;
	[tilespmem:$0x1B700] =	vst v63  }
0x2b: {  	s24 =	simm.s32 $0x5B00  }
0x2c: {  	[tilespmem:s24], [sflag:$0x1] =	stream.indirect_vreg.gather [hbm4b:s1+s3], $0x80, v3, vm0, $0xb8;
	[tilespmem:$0x1B700] =	vst v63  }
0x2d: {  	v3 =	vld [tilespmem:$0x10];
	_ =	sdelay $0x4  }
0x2e: {  	v45 =	vperm.xlane v3, v0;
	_ =	sdelay $0x1  }
0x2f: {  	v3 =	vperm.xlane v3, v2;
	v4 =	vadd.s32 v1, v45;
	_ =	sdelay $0x1  }
0x30: {  	v3 =	vadd.s32 v1, v3;
	_ =	sdelay $0x1  }
0x31: {  	s10 =	simm.s32 $0x6700  }
0x32: {  	[tilespmem:s10], [sflag:$0x1] =	stream.indirect_vreg.gather [hbm4b:s1+s3], $0x80, v4, vm0, $0xb8;
	[tilespmem:$0x1B700] =	vst v63  }
0x33: {  	s14 =	simm.s32 $0x7300  }
0x34: {  	[tilespmem:s14], [sflag:$0x1] =	stream.indirect_vreg.gather [hbm4b:s1+s3], $0x80, v3, vm0, $0xb8;
	[tilespmem:$0x1B700] =	vst v63  }
0x35: {  	v3 =	vld [tilespmem:$0x20];
	_ =	sdelay $0x4  }
0x36: {  	v46 =	vperm.xlane v3, v0;
	_ =	sdelay $0x1  }
0x37: {  	v3 =	vperm.xlane v3, v2;
	v4 =	vadd.s32 v1, v46;
	_ =	sdelay $0x1  }
0x38: {  	v3 =	vadd.s32 v1, v3;
	_ =	sdelay $0x1  }
0x39: {  	s15 =	simm.s32 $0x7F00  }
0x3a: {  	[tilespmem:s15], [sflag:$0x1] =	stream.indirect_vreg.gather [hbm4b:s1+s3], $0x80, v4, vm0, $0xb8;
	[tilespmem:$0x1B700] =	vst v63  }
0x3b: {  	s16 =	simm.s32 $0x8B00  }
0x3c: {  	[tilespmem:s16], [sflag:$0x1] =	stream.indirect_vreg.gather [hbm4b:s1+s3], $0x80, v3, vm0, $0xb8;
	[tilespmem:$0x1B700] =	vst v63  }
0x3d: {  	v3 =	vld [tilespmem:$0x30];
	_ =	sdelay $0x4  }
0x3e: {  	v47 =	vperm.xlane v3, v0;
	_ =	sdelay $0x1  }
0x3f: {  	v3 =	vperm.xlane v3, v2;
	v4 =	vadd.s32 v1, v47;
	_ =	sdelay $0x1  }
0x40: {  	v3 =	vadd.s32 v1, v3;
	_ =	sdelay $0x1  }
0x41: {  	s19 =	simm.s32 $0x9700  }
0x42: {  	[tilespmem:s19], [sflag:$0x1] =	stream.indirect_vreg.gather [hbm4b:s1+s3], $0x80, v4, vm0, $0xb8;
	[tilespmem:$0x1B700] =	vst v63  }
0x43: {  	s20 =	simm.s32 $0xA300  }
0x44: {  	[tilespmem:s20], [sflag:$0x1] =	stream.indirect_vreg.gather [hbm4b:s1+s3], $0x80, v3, vm0, $0xb8;
	[tilespmem:$0x1B700] =	vst v63  }
0x45: {  	v3 =	vld [tilespmem:$0x40];
	_ =	sdelay $0x4  }
0x46: {  	v48 =	vperm.xlane v3, v0;
	_ =	sdelay $0x1  }
0x47: {  	v3 =	vperm.xlane v3, v2;
	v4 =	vadd.s32 v1, v48;
	_ =	sdelay $0x1  }
0x48: {  	v3 =	vadd.s32 v1, v3;
	_ =	sdelay $0x1  }
0x49: {  	s21 =	simm.s32 $0xAF00  }
0x4a: {  	[tilespmem:s21], [sflag:$0x1] =	stream.indirect_vreg.gather [hbm4b:s1+s3], $0x80, v4, vm0, $0xb8;
	[tilespmem:$0x1B700] =	vst v63  }
0x4b: {  	s22 =	simm.s32 $0xBB00  }
0x4c: {  	[tilespmem:s22], [sflag:$0x1] =	stream.indirect_vreg.gather [hbm4b:s1+s3], $0x80, v3, vm0, $0xb8;
	[tilespmem:$0x1B700] =	vst v63  }
0x4d: {  	v3 =	vld [tilespmem:$0x2780];
	_ =	sdelay $0x4  }
0x4e: {  	v49 =	vperm.xlane v3, v0;
	_ =	sdelay $0x1  }
0x4f: {  	v3 =	vperm.xlane v3, v2;
	v4 =	vadd.s32 v1, v49;
	_ =	sdelay $0x1  }
0x50: {  	v3 =	vadd.s32 v1, v3;
	_ =	sdelay $0x1  }
0x51: {  	s23 =	simm.s32 $0x5300  }
0x52: {  	[tilespmem:s23], [sflag:$0x1] =	stream.indirect_vreg.gather [hbm4b:s1+s3], $0x80, v4, vm0, $0xb8;
	[tilespmem:$0x1B700] =	vst v63  }
0x53: {  	s24 =	simm.s32 $0x5F00  }
0x54: {  	[tilespmem:s24], [sflag:$0x1] =	stream.indirect_vreg.gather [hbm4b:s1+s3], $0x80, v3, vm0, $0xb8;
	[tilespmem:$0x1B700] =	vst v63  }
0x55: {  	v3 =	vld [tilespmem:$0x2790];
	_ =	sdelay $0x4  }
0x56: {  	v50 =	vperm.xlane v3, v0;
	_ =	sdelay $0x1  }
0x57: {  	v3 =	vperm.xlane v3, v2;
	v4 =	vadd.s32 v1, v50;
	_ =	sdelay $0x1  }
0x58: {  	v3 =	vadd.s32 v1, v3;
	_ =	sdelay $0x1  }
0x59: {  	s10 =	simm.s32 $0x6B00  }
0x5a: {  	[tilespmem:s10], [sflag:$0x1] =	stream.indirect_vreg.gather [hbm4b:s1+s3], $0x80, v4, vm0, $0xb8;
	[tilespmem:$0x1B700] =	vst v63  }
0x5b: {  	s14 =	simm.s32 $0x7700  }
0x5c: {  	[tilespmem:s14], [sflag:$0x1] =	stream.indirect_vreg.gather [hbm4b:s1+s3], $0x80, v3, vm0, $0xb8;
	[tilespmem:$0x1B700] =	vst v63  }
0x5d: {  	v3 =	vld [tilespmem:$0x27A0];
	_ =	sdelay $0x4  }
0x5e: {  	v51 =	vperm.xlane v3, v0;
	_ =	sdelay $0x1  }
0x5f: {  	v3 =	vperm.xlane v3, v2;
	v4 =	vadd.s32 v1, v51;
	_ =	sdelay $0x1  }
0x60: {  	v3 =	vadd.s32 v1, v3;
	_ =	sdelay $0x1  }
0x61: {  	s15 =	simm.s32 $0x8300  }
0x62: {  	[tilespmem:s15], [sflag:$0x1] =	stream.indirect_vreg.gather [hbm4b:s1+s3], $0x80, v4, vm0, $0xb8;
	[tilespmem:$0x1B700] =	vst v63  }
0x63: {  	s16 =	simm.s32 $0x8F00  }
0x64: {  	[tilespmem:s16], [sflag:$0x1] =	stream.indirect_vreg.gather [hbm4b:s1+s3], $0x80, v3, vm0, $0xb8;
	[tilespmem:$0x1B700] =	vst v63  }
0x65: {  	v3 =	vld [tilespmem:$0x27B0];
	_ =	sdelay $0x4  }
0x66: {  	v52 =	vperm.xlane v3, v0;
	_ =	sdelay $0x1  }
0x67: {  	v3 =	vperm.xlane v3, v2;
	v4 =	vadd.s32 v1, v52;
	_ =	sdelay $0x1  }
0x68: {  	v3 =	vadd.s32 v1, v3;
	_ =	sdelay $0x1  }
0x69: {  	s19 =	simm.s32 $0x9B00  }
0x6a: {  	[tilespmem:s19], [sflag:$0x1] =	stream.indirect_vreg.gather [hbm4b:s1+s3], $0x80, v4, vm0, $0xb8;
	[tilespmem:$0x1B700] =	vst v63  }
0x6b: {  	s20 =	simm.s32 $0xA700  }
0x6c: {  	[tilespmem:s20], [sflag:$0x1] =	stream.indirect_vreg.gather [hbm4b:s1+s3], $0x80, v3, vm0, $0xb8;
	[tilespmem:$0x1B700] =	vst v63  }
0x6d: {  	v3 =	vld [tilespmem:$0x27C0];
	_ =	sdelay $0x4  }
0x6e: {  	v53 =	vperm.xlane v3, v0;
	_ =	sdelay $0x1  }
0x6f: {  	v3 =	vperm.xlane v3, v2;
	v4 =	vadd.s32 v1, v53;
	_ =	sdelay $0x1  }
0x70: {  	v3 =	vadd.s32 v1, v3;
	_ =	sdelay $0x1  }
0x71: {  	s21 =	simm.s32 $0xB300  }
0x72: {  	[tilespmem:s21], [sflag:$0x1] =	stream.indirect_vreg.gather [hbm4b:s1+s3], $0x80, v4, vm0, $0xb8;
	[tilespmem:$0x1B700] =	vst v63  }
0x73: {  	s22 =	simm.s32 $0xBF00  }
0x74: {  	[tilespmem:s22], [sflag:$0x1] =	stream.indirect_vreg.gather [hbm4b:s1+s3], $0x80, v3, vm0, $0xb8;
	[tilespmem:$0x1B700] =	vst v63  }
0x75: {  	s23 =	simm.s32 $0x5700  }
0x76: {  	[tilespmem:s23], [sflag:$0x1] =	stream.linear.gather [hbm4b:s6+s3], $0x400, $0x38;
	[tilespmem:$0x1B700] =	vst v63  }
0x77: {  	s24 =	sadd.s32 $0x80, s6;
	s10 =	simm.s32 $0x6300  }
0x78: {  	[tilespmem:s10], [sflag:$0x1] =	stream.linear.gather [hbm4b:s24+s3], $0x400, $0x38;
	[tilespmem:$0x1B700] =	vst v63  }
0x79: {  	s14 =	simm.s32 $0x6F00;
	s10 =	sadd.s32 $0x100, s6  }
0x7a: {  	[tilespmem:s14], [sflag:$0x1] =	stream.linear.gather [hbm4b:s10+s3], $0x400, $0x38;
	[tilespmem:$0x1B700] =	vst v63  }
0x7b: {  	s15 =	sadd.s32 $0x180, s6;
	s16 =	simm.s32 $0x7B00  }
0x7c: {  	[tilespmem:s16], [sflag:$0x1] =	stream.linear.gather [hbm4b:s15+s3], $0x400, $0x38;
	[tilespmem:$0x1B700] =	vst v63  }
0x7d: {  	s19 =	sadd.s32 $0x200, s6;
	s20 =	simm.s32 $0x8700  }
0x7e: {  	[tilespmem:s20], [sflag:$0x1] =	stream.linear.gather [hbm4b:s19+s3], $0x400, $0x38;
	[tilespmem:$0x1B700] =	vst v63  }
0x7f: {  	s21 =	sadd.s32 $0x280, s6;
	s22 =	simm.s32 $0x9300  }
0x80: {  	[tilespmem:s22], [sflag:$0x1] =	stream.linear.gather [hbm4b:s21+s3], $0x400, $0x38;
	[tilespmem:$0x1B700] =	vst v63  }
0x81: {  	s23 =	sadd.s32 $0x300, s6;
	s24 =	simm.s32 $0x9F00  }
0x82: {  	[tilespmem:s24], [sflag:$0x1] =	stream.linear.gather [hbm4b:s23+s3], $0x400, $0x38;
	[tilespmem:$0x1B700] =	vst v63  }
0x83: {  	s14 =	sadd.s32 $0x380, s6;
	s15 =	simm.s32 $0xAB00  }
0x84: {  	[tilespmem:s15], [sflag:$0x1] =	stream.linear.gather [hbm4b:s14+s3], $0x400, $0x38;
	[tilespmem:$0x1B700] =	vst v63  }
0x85: {  	s16 =	sadd.s32 $0x400, s6;
	s19 =	simm.s32 $0xB700  }
0x86: {  	[tilespmem:s19], [sflag:$0x1] =	stream.linear.gather [hbm4b:s16+s3], $0x400, $0x38;
	[tilespmem:$0x1B700] =	vst v63  }
0x87: {  	s20 =	sadd.s32 $0x480, s6;
	s21 =	simm.s32 $0xC300  }
0x88: {  	[tilespmem:s21], [sflag:$0x1] =	stream.linear.gather [hbm4b:s20+s3], $0x400, $0x38;
	[tilespmem:$0x1B700] =	vst v63  }
0x89: {  	v3 =	vld [tilespmem:$0x50];
	_ =	sdelay $0x4  }
0x8a: {  	v54 =	vperm.xlane v3, v0;
	_ =	sdelay $0x1  }
0x8b: {  	v3 =	vperm.xlane v3, v2;
	v4 =	vadd.s32 v1, v54;
	_ =	sdelay $0x1  }
0x8c: {  	v3 =	vadd.s32 v1, v3;
	_ =	sdelay $0x1  }
0x8d: {  	s22 =	simm.s32 $0xC700  }
0x8e: {  	[tilespmem:s22], [sflag:$0x2] =	stream.indirect_vreg.gather [hbm4b:s1+s3], $0x80, v4, vm0, $0xb8;
	[tilespmem:$0x1B700] =	vst v63  }
0x8f: {  	s23 =	simm.s32 $0xD300  }
0x90: {  	[tilespmem:s23], [sflag:$0x2] =	stream.indirect_vreg.gather [hbm4b:s1+s3], $0x80, v3, vm0, $0xb8;
	[tilespmem:$0x1B700] =	vst v63  }
0x91: {  	v3 =	vld [tilespmem:$0x60];
	_ =	sdelay $0x4  }
0x92: {  	v55 =	vperm.xlane v3, v0;
	_ =	sdelay $0x1  }
0x93: {  	v3 =	vperm.xlane v3, v2;
	v4 =	vadd.s32 v1, v55;
	_ =	sdelay $0x1  }
0x94: {  	v3 =	vadd.s32 v1, v3;
	_ =	sdelay $0x1  }
0x95: {  	s24 =	simm.s32 $0xDF00  }
0x96: {  	[tilespmem:s24], [sflag:$0x2] =	stream.indirect_vreg.gather [hbm4b:s1+s3], $0x80, v4, vm0, $0xb8;
	[tilespmem:$0x1B700] =	vst v63  }
0x97: {  	s10 =	simm.s32 $0xEB00  }
0x98: {  	[tilespmem:s10], [sflag:$0x2] =	stream.indirect_vreg.gather [hbm4b:s1+s3], $0x80, v3, vm0, $0xb8;
	[tilespmem:$0x1B700] =	vst v63  }
0x99: {  	v3 =	vld [tilespmem:$0x70];
	_ =	sdelay $0x4  }
0x9a: {  	v56 =	vperm.xlane v3, v0;
	_ =	sdelay $0x1  }
0x9b: {  	v3 =	vperm.xlane v3, v2;
	v4 =	vadd.s32 v1, v56;
	_ =	sdelay $0x1  }
0x9c: {  	v3 =	vadd.s32 v1, v3;
	_ =	sdelay $0x1  }
0x9d: {  	s14 =	simm.s32 $0xF700  }
0x9e: {  	[tilespmem:s14], [sflag:$0x2] =	stream.indirect_vreg.gather [hbm4b:s1+s3], $0x80, v4, vm0, $0xb8;
	[tilespmem:$0x1B700] =	vst v63  }
0x9f: {  	s15 =	simm.s32 $0x10300  }
0xa0: {  	[tilespmem:s15], [sflag:$0x2] =	stream.indirect_vreg.gather [hbm4b:s1+s3], $0x80, v3, vm0, $0xb8;
	[tilespmem:$0x1B700] =	vst v63  }
0xa1: {  	v3 =	vld [tilespmem:$0x80];
	_ =	sdelay $0x4  }
0xa2: {  	v57 =	vperm.xlane v3, v0;
	_ =	sdelay $0x1  }
0xa3: {  	v3 =	vperm.xlane v3, v2;
	v4 =	vadd.s32 v1, v57;
	_ =	sdelay $0x1  }
0xa4: {  	v3 =	vadd.s32 v1, v3;
	_ =	sdelay $0x1  }
0xa5: {  	s16 =	simm.s32 $0x10F00  }
0xa6: {  	[tilespmem:s16], [sflag:$0x2] =	stream.indirect_vreg.gather [hbm4b:s1+s3], $0x80, v4, vm0, $0xb8;
	[tilespmem:$0x1B700] =	vst v63  }
0xa7: {  	s19 =	simm.s32 $0x11B00  }
0xa8: {  	[tilespmem:s19], [sflag:$0x2] =	stream.indirect_vreg.gather [hbm4b:s1+s3], $0x80, v3, vm0, $0xb8;
	[tilespmem:$0x1B700] =	vst v63  }
0xa9: {  	v3 =	vld [tilespmem:$0x90];
	_ =	sdelay $0x4  }
0xaa: {  	v58 =	vperm.xlane v3, v0;
	_ =	sdelay $0x1  }
0xab: {  	v3 =	vperm.xlane v3, v2;
	v4 =	vadd.s32 v1, v58;
	_ =	sdelay $0x1  }
0xac: {  	v3 =	vadd.s32 v1, v3;
	_ =	sdelay $0x1  }
0xad: {  	s20 =	simm.s32 $0x12700  }
0xae: {  	[tilespmem:s20], [sflag:$0x2] =	stream.indirect_vreg.gather [hbm4b:s1+s3], $0x80, v4, vm0, $0xb8;
	[tilespmem:$0x1B700] =	vst v63  }
0xaf: {  	s21 =	simm.s32 $0x13300  }
0xb0: {  	[tilespmem:s21], [sflag:$0x2] =	stream.indirect_vreg.gather [hbm4b:s1+s3], $0x80, v3, vm0, $0xb8;
	[tilespmem:$0x1B700] =	vst v63  }
0xb1: {  	v3 =	vld [tilespmem:$0x27D0];
	_ =	sdelay $0x4  }
0xb2: {  	v59 =	vperm.xlane v3, v0;
	_ =	sdelay $0x1  }
0xb3: {  	v3 =	vperm.xlane v3, v2;
	v4 =	vadd.s32 v1, v59;
	_ =	sdelay $0x1  }
0xb4: {  	v3 =	vadd.s32 v1, v3;
	_ =	sdelay $0x1  }
0xb5: {  	s22 =	simm.s32 $0xCB00  }
0xb6: {  	[tilespmem:s22], [sflag:$0x2] =	stream.indirect_vreg.gather [hbm4b:s1+s3], $0x80, v4, vm0, $0xb8;
	[tilespmem:$0x1B700] =	vst v63  }
0xb7: {  	s23 =	simm.s32 $0xD700  }
0xb8: {  	[tilespmem:s23], [sflag:$0x2] =	stream.indirect_vreg.gather [hbm4b:s1+s3], $0x80, v3, vm0, $0xb8;
	[tilespmem:$0x1B700] =	vst v63  }
0xb9: {  	v3 =	vld [tilespmem:$0x27E0];
	_ =	sdelay $0x4  }
0xba: {  	v60 =	vperm.xlane v3, v0;
	_ =	sdelay $0x1  }
0xbb: {  	v3 =	vperm.xlane v3, v2;
	v4 =	vadd.s32 v1, v60;
	_ =	sdelay $0x1  }
0xbc: {  	v3 =	vadd.s32 v1, v3;
	_ =	sdelay $0x1  }
0xbd: {  	s24 =	simm.s32 $0xE300  }
0xbe: {  	[tilespmem:s24], [sflag:$0x2] =	stream.indirect_vreg.gather [hbm4b:s1+s3], $0x80, v4, vm0, $0xb8;
	[tilespmem:$0x1B700] =	vst v63  }
0xbf: {  	s10 =	simm.s32 $0xEF00  }
0xc0: {  	[tilespmem:s10], [sflag:$0x2] =	stream.indirect_vreg.gather [hbm4b:s1+s3], $0x80, v3, vm0, $0xb8;
	[tilespmem:$0x1B700] =	vst v63  }
0xc1: {  	v3 =	vld [tilespmem:$0x27F0];
	_ =	sdelay $0x4  }
0xc2: {  	v61 =	vperm.xlane v3, v0;
	_ =	sdelay $0x1  }
0xc3: {  	v3 =	vperm.xlane v3, v2;
	v4 =	vadd.s32 v1, v61;
	_ =	sdelay $0x1  }
0xc4: {  	v3 =	vadd.s32 v1, v3;
	_ =	sdelay $0x1  }
0xc5: {  	s14 =	simm.s32 $0xFB00  }
0xc6: {  	[tilespmem:s14], [sflag:$0x2] =	stream.indirect_vreg.gather [hbm4b:s1+s3], $0x80, v4, vm0, $0xb8;
	[tilespmem:$0x1B700] =	vst v63  }
0xc7: {  	s15 =	simm.s32 $0x10700  }
0xc8: {  	[tilespmem:s15], [sflag:$0x2] =	stream.indirect_vreg.gather [hbm4b:s1+s3], $0x80, v3, vm0, $0xb8;
	[tilespmem:$0x1B700] =	vst v63  }
0xc9: {  	v3 =	vld [tilespmem:$0x2800];
	_ =	sdelay $0x4  }
0xca: {  	v62 =	vperm.xlane v3, v0;
	_ =	sdelay $0x1  }
0xcb: {  	v3 =	vperm.xlane v3, v2;
	v4 =	vadd.s32 v1, v62;
	_ =	sdelay $0x1  }
0xcc: {  	v3 =	vadd.s32 v1, v3;
	_ =	sdelay $0x1  }
0xcd: {  	s16 =	simm.s32 $0x11300  }
0xce: {  	[tilespmem:s16], [sflag:$0x2] =	stream.indirect_vreg.gather [hbm4b:s1+s3], $0x80, v4, vm0, $0xb8;
	[tilespmem:$0x1B700] =	vst v63  }
0xcf: {  	s19 =	simm.s32 $0x11F00  }
0xd0: {  	[tilespmem:s19], [sflag:$0x2] =	stream.indirect_vreg.gather [hbm4b:s1+s3], $0x80, v3, vm0, $0xb8;
	[tilespmem:$0x1B700] =	vst v63  }
0xd1: {  	v3 =	vld [tilespmem:$0x2810];
	_ =	sdelay $0x4  }
0xd2: {  	v63 =	vperm.xlane v3, v0;
	_ =	sdelay $0x1  }
0xd3: {  	v3 =	vperm.xlane v3, v2;
	v4 =	vadd.s32 v1, v63;
	_ =	sdelay $0x1  }
0xd4: {  	v3 =	vadd.s32 v1, v3;
	_ =	sdelay $0x1  }
0xd5: {  	s20 =	simm.s32 $0x12B00  }
0xd6: {  	[tilespmem:s20], [sflag:$0x2] =	stream.indirect_vreg.gather [hbm4b:s1+s3], $0x80, v4, vm0, $0xb8;
	[tilespmem:$0x1B700] =	vst v63  }
0xd7: {  	s21 =	simm.s32 $0x13700  }
0xd8: {  	[tilespmem:s21], [sflag:$0x2] =	stream.indirect_vreg.gather [hbm4b:s1+s3], $0x80, v3, vm0, $0xb8;
	[tilespmem:$0x1B700] =	vst v63  }
0xd9: {  	s22 =	simm.s32 $0xCF00  }
0xda: {  	[tilespmem:s22], [sflag:$0x2] =	stream.linear.gather [hbm4b:s7+s3], $0x400, $0x38;
	[tilespmem:$0x1B700] =	vst v63  }
0xdb: {  	s23 =	sadd.s32 $0x80, s7;
	s24 =	simm.s32 $0xDB00  }
0xdc: {  	[tilespmem:s24], [sflag:$0x2] =	stream.linear.gather [hbm4b:s23+s3], $0x400, $0x38;
	[tilespmem:$0x1B700] =	vst v63  }
0xdd: {  	s10 =	sadd.s32 $0x100, s7;
	s14 =	simm.s32 $0xE700  }
0xde: {  	[tilespmem:s14], [sflag:$0x2] =	stream.linear.gather [hbm4b:s10+s3], $0x400, $0x38;
	[tilespmem:$0x1B700] =	vst v63  }
0xdf: {  	s15 =	sadd.s32 $0x180, s7;
	s16 =	simm.s32 $0xF300  }
0xe0: {  	[tilespmem:s16], [sflag:$0x2] =	stream.linear.gather [hbm4b:s15+s3], $0x400, $0x38;
	[tilespmem:$0x1B700] =	vst v63  }
0xe1: {  	s19 =	sadd.s32 $0x200, s7  }
0xe2: {  	[tilespmem:s25], [sflag:$0x2] =	stream.linear.gather [hbm4b:s19+s3], $0x400, $0x38;
	[tilespmem:$0x1B700] =	vst v63  }
0xe3: {  	s20 =	sadd.s32 $0x280, s7  }
0xe4: {  	[tilespmem:s26], [sflag:$0x2] =	stream.linear.gather [hbm4b:s20+s3], $0x400, $0x38;
	[tilespmem:$0x1B700] =	vst v63  }
0xe5: {  	s21 =	sadd.s32 $0x300, s7  }
0xe6: {  	[tilespmem:s28], [sflag:$0x2] =	stream.linear.gather [hbm4b:s21+s3], $0x400, $0x38;
	[tilespmem:$0x1B700] =	vst v63  }
0xe7: {  	s22 =	sadd.s32 $0x380, s7  }
0xe8: {  	[tilespmem:s29], [sflag:$0x2] =	stream.linear.gather [hbm4b:s22+s3], $0x400, $0x38;
	[tilespmem:$0x1B700] =	vst v63  }
.Ltmp2:
0xe9: {  	s9 =	smov.u32 s18;
	(pc) =	sbr.rel .LBB2_2-.Ltmp2, $4  }
0xea: {  	s23 =	sadd.s32 $0x400, s7;
	s24 =	sadd.s32 $0x480, s7;
	s14 =	simm.s32 $0x2  }
0xeb: {  	[tilespmem:s30], [sflag:$0x2] =	stream.linear.gather [hbm4b:s23+s3], $0x400, $0x38;
	[tilespmem:$0x1B700] =	vst v63  }
0xec: {  	s10 =	smov.u32 s17;
	s15 =	simm.s32 $0xE0;
	s16 =	simm.s32 $0x2860  }
0xed: {  	[tilespmem:s31], [sflag:$0x2] =	stream.linear.gather [hbm4b:s24+s3], $0x400, $0x38;
	[tilespmem:$0x1B700] =	vst v63  }
.LBB2_4:
0xee: {  	s20 =	sadd.s32 $0xFFFFFEAA, s20  }
0xef: {  	s20 =	sshrl.u32 s20, $0x9  }
0xf0: {  	s20 =	sand.u32 $0x7F, s20  }
0xf1: {  	s20 =	smul.u32 $0x3, s20;
	_ =	sdelay $0x1  }
0xf2: {  	s19 =	ssub.s32 s19, s20  }
0xf3: {  	s19 =	sand.u32 $0xFF, s19  }
0xf4: {  	s23 =	sadd.s32 $0x1, s19  }
0xf5: {  	_ =	swait.ge [sflag:s23], $0x2800  }
0xf6: {  	[sflag:s23] =	ssyncset.done $0x0  }
0xf7: {  	[sflag:s23] =	ssyncadd.s32 $0xFFFFD800  }
0xf8: {  	_ =	swait.ge [sflag:s23], $0x2800  }
0xf9: {  	s14 =	sadd.s32 $0x1, s14;
	[sflag:s23] =	ssyncset.done $0x0  }
0xfa: {  	p0 =	sne.s32 s14, $0x7F;
	s21 =	smul.u32 $0x1E000, s19;
	[sflag:s23] =	ssyncadd.s32 $0xFFFFD800  }
.Ltmp3:
0xfb: {  	_ =	swait.ge [sflag:s23], $0x2800;
	(pc) =	sbr.rel @!p0 .LBB2_5-.Ltmp3, $4  }
0xfc: {  	s10 =	sadd.s32 $0x500, s10;
	s21 =	sshrl.u32 s21, $0x2;
	[sflag:s23] =	ssyncset.done $0x0  }
0xfd: {  	s19 =	sadd.s32 $0x4, s19;
	s24 =	sadd.s32 $0x4F00, s21;
	[sflag:s23] =	ssyncadd.s32 $0xFFFFD800  }
0xfe: {  	[hbm4b:s9+s3] =	stream.linear.scatter [tilespmem:s24], [sflag:s19], $0x7800, $0x38;
	[tilespmem:$0x1B700] =	vst v63  }
0xff: {  	s15 =	sadd.s32 $0x50, s15;
	s16 =	sadd.s32 $0x50, s16;
	s9 =	sadd.s32 $0xF00, s9  }
.LBB2_2:
0x100: {  	s19 =	sadd.s32 $0xFFFFFFFE, s14  }
0x101: {  	p0 =	sgt.u32 s19, $0x7A  }
.Ltmp4:
0x102: {  	_ = 	snop;
	(pc) =	sbr.rel @p0 .LBB2_4-.Ltmp4, $2  }
0x103: {  	_ =	sdelay $0x1  }
0x104: {  	s20 =	smul.u32 $0xAB, s14;
	_ =	sdelay $0x1  }
0x105: {  	s21 =	sshrl.u32 s20, $0x9  }
0x106: {  	s21 =	sand.u32 $0x7F, s21  }
0x107: {  	s21 =	smul.u32 $0x3, s21;
	_ =	sdelay $0x1  }
0x108: {  	s21 =	ssub.s32 s14, s21  }
0x109: {  	p0 =	seq.s32 s14, $0x2;
	s22 =	sand.u32 $0xFF, s21  }
0x10a: {  	s21 =	sadd.s32 @!p0 $0x4, s22  }
0x10b: {  	_ =	swait.ge @!p0 [sflag:s21], $0x7800  }
0x10c: {  	[sflag:s21] =	ssyncset.done @!p0 $0x0  }
0x10d: {  	[sflag:s21] =	ssyncadd.s32 @!p0 $0xFFFF8800  }
0x10e: {  	v3 =	vld [tilespmem:s15+$0xFFFFFFC0];
	_ =	sdelay $0x4  }
0x10f: {  	v4 =	vperm.xlane v3, v0;
	_ =	sdelay $0x1  }
0x110: {  	v3 =	vperm.xlane v3, v2;
	v4 =	vadd.s32 v1, v4  }
0x111: {  	s23 =	smul.u32 $0x1E000, s22  }
0x112: {  	v3 =	vadd.s32 v1, v3  }
0x113: {  	s21 =	sshrl.u32 s23, $0x2  }
0x114: {  	s22 =	sadd.s32 $0x1, s22;
	s23 =	sadd.s32 $0x4F00, s21  }
0x115: {  	[tilespmem:s23], [sflag:s22] =	stream.indirect_vreg.gather [hbm4b:s1+s3], $0x80, v4, vm0, $0xb8;
	[tilespmem:$0x1B700] =	vst v63  }
0x116: {  	s24 =	sadd.s32 $0x5B00, s21  }
0x117: {  	[tilespmem:s24], [sflag:s22] =	stream.indirect_vreg.gather [hbm4b:s1+s3], $0x80, v3, vm0, $0xb8;
	[tilespmem:$0x1B700] =	vst v63  }
0x118: {  	v3 =	vld [tilespmem:s15+$0xFFFFFFD0];
	_ =	sdelay $0x4  }
0x119: {  	v55 =	vperm.xlane v3, v0;
	_ =	sdelay $0x1  }
0x11a: {  	v3 =	vperm.xlane v3, v2;
	v4 =	vadd.s32 v1, v55;
	_ =	sdelay $0x1  }
0x11b: {  	v3 =	vadd.s32 v1, v3;
	_ =	sdelay $0x1  }
0x11c: {  	s24 =	sadd.s32 $0x6700, s21  }
0x11d: {  	[tilespmem:s24], [sflag:s22] =	stream.indirect_vreg.gather [hbm4b:s1+s3], $0x80, v4, vm0, $0xb8;
	[tilespmem:$0x1B700] =	vst v63  }
0x11e: {  	s24 =	sadd.s32 $0x7300, s21  }
0x11f: {  	[tilespmem:s24], [sflag:s22] =	stream.indirect_vreg.gather [hbm4b:s1+s3], $0x80, v3, vm0, $0xb8;
	[tilespmem:$0x1B700] =	vst v63  }
0x120: {  	v3 =	vld [tilespmem:s15+$0xFFFFFFE0];
	_ =	sdelay $0x4  }
0x121: {  	v56 =	vperm.xlane v3, v0;
	_ =	sdelay $0x1  }
0x122: {  	v3 =	vperm.xlane v3, v2;
	v4 =	vadd.s32 v1, v56;
	_ =	sdelay $0x1  }
0x123: {  	v3 =	vadd.s32 v1, v3;
	_ =	sdelay $0x1  }
0x124: {  	s24 =	sadd.s32 $0x7F00, s21  }
0x125: {  	[tilespmem:s24], [sflag:s22] =	stream.indirect_vreg.gather [hbm4b:s1+s3], $0x80, v4, vm0, $0xb8;
	[tilespmem:$0x1B700] =	vst v63  }
0x126: {  	s24 =	sadd.s32 $0x8B00, s21  }
0x127: {  	[tilespmem:s24], [sflag:s22] =	stream.indirect_vreg.gather [hbm4b:s1+s3], $0x80, v3, vm0, $0xb8;
	[tilespmem:$0x1B700] =	vst v63  }
0x128: {  	v3 =	vld [tilespmem:s15+$0xFFFFFFF0];
	_ =	sdelay $0x4  }
0x129: {  	v57 =	vperm.xlane v3, v0;
	_ =	sdelay $0x1  }
0x12a: {  	v3 =	vperm.xlane v3, v2;
	v4 =	vadd.s32 v1, v57;
	_ =	sdelay $0x1  }
0x12b: {  	v3 =	vadd.s32 v1, v3;
	_ =	sdelay $0x1  }
0x12c: {  	s24 =	sadd.s32 $0x9700, s21  }
0x12d: {  	[tilespmem:s24], [sflag:s22] =	stream.indirect_vreg.gather [hbm4b:s1+s3], $0x80, v4, vm0, $0xb8;
	[tilespmem:$0x1B700] =	vst v63  }
0x12e: {  	s24 =	sadd.s32 $0xA300, s21  }
0x12f: {  	[tilespmem:s24], [sflag:s22] =	stream.indirect_vreg.gather [hbm4b:s1+s3], $0x80, v3, vm0, $0xb8;
	[tilespmem:$0x1B700] =	vst v63  }
0x130: {  	v3 =	vld [tilespmem:s15+$0x0];
	_ =	sdelay $0x4  }
0x131: {  	v58 =	vperm.xlane v3, v0;
	_ =	sdelay $0x1  }
0x132: {  	v3 =	vperm.xlane v3, v2;
	v4 =	vadd.s32 v1, v58;
	_ =	sdelay $0x1  }
0x133: {  	v3 =	vadd.s32 v1, v3;
	_ =	sdelay $0x1  }
0x134: {  	s24 =	sadd.s32 $0xAF00, s21  }
0x135: {  	[tilespmem:s24], [sflag:s22] =	stream.indirect_vreg.gather [hbm4b:s1+s3], $0x80, v4, vm0, $0xb8;
	[tilespmem:$0x1B700] =	vst v63  }
0x136: {  	s24 =	sadd.s32 $0xBB00, s21  }
0x137: {  	[tilespmem:s24], [sflag:s22] =	stream.indirect_vreg.gather [hbm4b:s1+s3], $0x80, v3, vm0, $0xb8;
	[tilespmem:$0x1B700] =	vst v63  }
0x138: {  	v3 =	vld [tilespmem:s16+$0xFFFFFFC0];
	_ =	sdelay $0x4  }
0x139: {  	v59 =	vperm.xlane v3, v0;
	_ =	sdelay $0x1  }
0x13a: {  	v3 =	vperm.xlane v3, v2;
	v4 =	vadd.s32 v1, v59;
	_ =	sdelay $0x1  }
0x13b: {  	v3 =	vadd.s32 v1, v3;
	_ =	sdelay $0x1  }
0x13c: {  	s24 =	sadd.s32 $0x5300, s21  }
0x13d: {  	[tilespmem:s24], [sflag:s22] =	stream.indirect_vreg.gather [hbm4b:s1+s3], $0x80, v4, vm0, $0xb8;
	[tilespmem:$0x1B700] =	vst v63  }
0x13e: {  	s24 =	sadd.s32 $0x5F00, s21  }
0x13f: {  	[tilespmem:s24], [sflag:s22] =	stream.indirect_vreg.gather [hbm4b:s1+s3], $0x80, v3, vm0, $0xb8;
	[tilespmem:$0x1B700] =	vst v63  }
0x140: {  	v3 =	vld [tilespmem:s16+$0xFFFFFFD0];
	_ =	sdelay $0x4  }
0x141: {  	v60 =	vperm.xlane v3, v0;
	_ =	sdelay $0x1  }
0x142: {  	v3 =	vperm.xlane v3, v2;
	v4 =	vadd.s32 v1, v60;
	_ =	sdelay $0x1  }
0x143: {  	v3 =	vadd.s32 v1, v3;
	_ =	sdelay $0x1  }
0x144: {  	s24 =	sadd.s32 $0x6B00, s21  }
0x145: {  	[tilespmem:s24], [sflag:s22] =	stream.indirect_vreg.gather [hbm4b:s1+s3], $0x80, v4, vm0, $0xb8;
	[tilespmem:$0x1B700] =	vst v63  }
0x146: {  	s24 =	sadd.s32 $0x7700, s21  }
0x147: {  	[tilespmem:s24], [sflag:s22] =	stream.indirect_vreg.gather [hbm4b:s1+s3], $0x80, v3, vm0, $0xb8;
	[tilespmem:$0x1B700] =	vst v63  }
0x148: {  	v3 =	vld [tilespmem:s16+$0xFFFFFFE0];
	_ =	sdelay $0x4  }
0x149: {  	v61 =	vperm.xlane v3, v0;
	_ =	sdelay $0x1  }
0x14a: {  	v3 =	vperm.xlane v3, v2;
	v4 =	vadd.s32 v1, v61;
	_ =	sdelay $0x1  }
0x14b: {  	v3 =	vadd.s32 v1, v3;
	_ =	sdelay $0x1  }
0x14c: {  	s24 =	sadd.s32 $0x8300, s21  }
0x14d: {  	[tilespmem:s24], [sflag:s22] =	stream.indirect_vreg.gather [hbm4b:s1+s3], $0x80, v4, vm0, $0xb8;
	[tilespmem:$0x1B700] =	vst v63  }
0x14e: {  	s24 =	sadd.s32 $0x8F00, s21  }
0x14f: {  	[tilespmem:s24], [sflag:s22] =	stream.indirect_vreg.gather [hbm4b:s1+s3], $0x80, v3, vm0, $0xb8;
	[tilespmem:$0x1B700] =	vst v63  }
0x150: {  	v3 =	vld [tilespmem:s16+$0xFFFFFFF0];
	_ =	sdelay $0x4  }
0x151: {  	v62 =	vperm.xlane v3, v0;
	_ =	sdelay $0x1  }
0x152: {  	v3 =	vperm.xlane v3, v2;
	v4 =	vadd.s32 v1, v62;
	_ =	sdelay $0x1  }
0x153: {  	v3 =	vadd.s32 v1, v3;
	_ =	sdelay $0x1  }
0x154: {  	s24 =	sadd.s32 $0x9B00, s21  }
0x155: {  	[tilespmem:s24], [sflag:s22] =	stream.indirect_vreg.gather [hbm4b:s1+s3], $0x80, v4, vm0, $0xb8;
	[tilespmem:$0x1B700] =	vst v63  }
0x156: {  	s24 =	sadd.s32 $0xA700, s21  }
0x157: {  	[tilespmem:s24], [sflag:s22] =	stream.indirect_vreg.gather [hbm4b:s1+s3], $0x80, v3, vm0, $0xb8;
	[tilespmem:$0x1B700] =	vst v63  }
0x158: {  	v3 =	vld [tilespmem:s16+$0x0];
	_ =	sdelay $0x4  }
0x159: {  	v63 =	vperm.xlane v3, v0;
	_ =	sdelay $0x1  }
0x15a: {  	v3 =	vperm.xlane v3, v2;
	v4 =	vadd.s32 v1, v63;
	_ =	sdelay $0x1  }
0x15b: {  	v3 =	vadd.s32 v1, v3;
	_ =	sdelay $0x1  }
0x15c: {  	s24 =	sadd.s32 $0xB300, s21  }
0x15d: {  	[tilespmem:s24], [sflag:s22] =	stream.indirect_vreg.gather [hbm4b:s1+s3], $0x80, v4, vm0, $0xb8;
	[tilespmem:$0x1B700] =	vst v63  }
0x15e: {  	s24 =	sadd.s32 $0xBF00, s21  }
0x15f: {  	[tilespmem:s24], [sflag:s22] =	stream.indirect_vreg.gather [hbm4b:s1+s3], $0x80, v3, vm0, $0xb8;
	[tilespmem:$0x1B700] =	vst v63  }
0x160: {  	s24 =	sadd.s32 $0x5700, s21  }
0x161: {  	[tilespmem:s24], [sflag:s22] =	stream.linear.gather [hbm4b:s10+s3], $0x400, $0x38;
	[tilespmem:$0x1B700] =	vst v63  }
0x162: {  	s23 =	sadd.s32 $0x80, s10;
	s24 =	sadd.s32 $0x6300, s21  }
0x163: {  	[tilespmem:s24], [sflag:s22] =	stream.linear.gather [hbm4b:s23+s3], $0x400, $0x38;
	[tilespmem:$0x1B700] =	vst v63  }
0x164: {  	s23 =	sadd.s32 $0x100, s10;
	s24 =	sadd.s32 $0x6F00, s21  }
0x165: {  	[tilespmem:s24], [sflag:s22] =	stream.linear.gather [hbm4b:s23+s3], $0x400, $0x38;
	[tilespmem:$0x1B700] =	vst v63  }
0x166: {  	s23 =	sadd.s32 $0x180, s10;
	s24 =	sadd.s32 $0x7B00, s21  }
0x167: {  	[tilespmem:s24], [sflag:s22] =	stream.linear.gather [hbm4b:s23+s3], $0x400, $0x38;
	[tilespmem:$0x1B700] =	vst v63  }
0x168: {  	s23 =	sadd.s32 $0x200, s10;
	s24 =	sadd.s32 $0x8700, s21  }
0x169: {  	[tilespmem:s24], [sflag:s22] =	stream.linear.gather [hbm4b:s23+s3], $0x400, $0x38;
	[tilespmem:$0x1B700] =	vst v63  }
0x16a: {  	s23 =	sadd.s32 $0x280, s10;
	s24 =	sadd.s32 $0x9300, s21  }
0x16b: {  	[tilespmem:s24], [sflag:s22] =	stream.linear.gather [hbm4b:s23+s3], $0x400, $0x38;
	[tilespmem:$0x1B700] =	vst v63  }
0x16c: {  	s23 =	sadd.s32 $0x300, s10;
	s24 =	sadd.s32 $0x9F00, s21  }
0x16d: {  	[tilespmem:s24], [sflag:s22] =	stream.linear.gather [hbm4b:s23+s3], $0x400, $0x38;
	[tilespmem:$0x1B700] =	vst v63  }
0x16e: {  	s23 =	sadd.s32 $0x380, s10;
	s24 =	sadd.s32 $0xAB00, s21  }
0x16f: {  	[tilespmem:s24], [sflag:s22] =	stream.linear.gather [hbm4b:s23+s3], $0x400, $0x38;
	[tilespmem:$0x1B700] =	vst v63  }
.Ltmp5:
0x170: {  	_ = 	snop;
	(pc) =	sbr.rel .LBB2_4-.Ltmp5, $4  }
0x171: {  	s23 =	sadd.s32 $0x400, s10;
	s24 =	sadd.s32 $0xB700, s21  }
0x172: {  	[tilespmem:s24], [sflag:s22] =	stream.linear.gather [hbm4b:s23+s3], $0x400, $0x38;
	[tilespmem:$0x1B700] =	vst v63  }
0x173: {  	s21 =	sadd.s32 $0xC300, s21;
	s24 =	sadd.s32 $0x480, s10  }
0x174: {  	[tilespmem:s21], [sflag:s22] =	stream.linear.gather [hbm4b:s24+s3], $0x400, $0x38;
	[tilespmem:$0x1B700] =	vst v63  }
.LBB2_6:
0x175: {  	_ =	sfence.sel $0x180000  }
0x176: {  	[bflag:$0x0] =	sbarrier.arrive $0xFFFF  }
0x177: {  	_ =	strace $0x90000047  }
0x178: {  	s0 =	stileid.u32;
	[bflag:$0x2] =	sbarrier.arrive $0xFFFF  }
0x179: {  	p0 =	sne.s32 s0, $0x0;
	s0 =	rddreg [dreg:$0x5]  }
0x17a: {  	s0 =	sadd.s32 @!p0 $0x100000, s0  }
0x17b: {  	[sflag:s0] =	ssyncadd.tile.s32 @!p0 $0x1;
	_ =	shalt  }
.Lfunc_end2:
_tile_overlayer_lowered:
.L_overlay_start_2:
0x17c: {  	(tag) =	ssettag $0x2  }
0x17d: {  	s0 =	rddreg [dreg:$0x0];
	s2 =	stileid.u32  }
0x17e: {  	s1 =	rddreg [dreg:$0x1];
	p0 =	sne.s32 s2, $0x0  }
0x17f: {  	s3 =	rddreg [dreg:$0x2];
	[bflag:$0x3] =	sbarrier.arrive $0xFFFF;
	s2 =	simm.s32 @!p0 $0x1C07  }
0x180: {  	[timem:s3], [sflag:s2] =	dma.local @!p0 [hbm:s0], s1  }
0x181: {  	s0 =	simm.s32 @!p0 $0x7  }
0x182: {  	_ =	swait.ge @!p0 [sflag:s0], s1  }
0x183: {  	s1 =	ssub.s32 @!p0 $0x0, s1;
	[sflag:s0] =	ssyncset.done @!p0 $0x0  }
0x184: {  	[sflag:s0] =	ssyncadd.s32 @!p0 s1  }
0x185: {  	[bflag:$0x3] =	sbarrier.arrive $0xFFFF  }
0x186: {  	_ =	shalt  }

</sc_bundles>
